<compile_context>
chip_gen: v7x
topology: tpu7x:2x2x1
jax: 0.10.2.dev20260603
libtpu: 0.0.44.dev20260713+nightly
codegen_flags: <defaults>
</compile_context>

<pallas_src>
import functools

import jax
import jax.numpy as jnp
from jax import lax
from jax.experimental import pallas as pl
from jax.experimental.pallas import tpu as pltpu
from jax.experimental.pallas import tpu_sc as plsc

B = 320000
F = 128
NIMG = 10000
NPAD = 10240
NC = 2
NS = 16
NW = NC * NS
CHUNK = B // NW
SLICE = NPAD // NS
R = 12800
RD = R // 128
BD = B // 128


def _softplus(z):
    return jnp.maximum(z, 0.0) + jnp.log(1.0 + jnp.exp(-jnp.abs(z)))


def _matvec_body(x_ref, wa_ref, wb_ref, ba_ref, alpha_ref, yb_ref):
    xb = x_ref[...]
    ya = jnp.sum(xb * wa_ref[...], axis=1) + ba_ref[0, 0]
    yb = jnp.sum(xb * wb_ref[...], axis=1)
    alpha_ref[...] = _softplus(ya.reshape(1, RD, 128)) + 1e-4
    yb_ref[...] = yb.reshape(1, RD, 128)


def _matvec(x, wa, wb, ba):
    return pl.pallas_call(
        _matvec_body,
        grid=(B // R,),
        in_specs=[
            pl.BlockSpec((R, F), lambda i: (i, 0)),
            pl.BlockSpec((1, F), lambda i: (0, 0)),
            pl.BlockSpec((1, F), lambda i: (0, 0)),
            pl.BlockSpec((1, 1), lambda i: (0, 0)),
        ],
        out_specs=[
            pl.BlockSpec((1, RD, 128), lambda i: (i, 0, 0)),
            pl.BlockSpec((1, RD, 128), lambda i: (i, 0, 0)),
        ],
        out_shape=[
            jax.ShapeDtypeStruct((B // R, RD, 128), jnp.float32),
            jax.ShapeDtypeStruct((B // R, RD, 128), jnp.float32),
        ],
    )(x, wa, wb, ba)


_MESH = plsc.VectorSubcoreMesh(
    core_axis_name="c", subcore_axis_name="s", num_cores=NC, num_subcores=NS)


@functools.partial(
    pl.kernel,
    mesh=_MESH,
    compiler_params=pltpu.CompilerParams(needs_layout_passes=False),
    out_type=[
        jax.ShapeDtypeStruct((NC, NPAD), jnp.float32),
        jax.ShapeDtypeStruct((NC, NPAD), jnp.float32),
    ],
    scratch_types=[
        pltpu.VMEM((CHUNK,), jnp.int32),
        pltpu.VMEM((CHUNK,), jnp.float32),
        pltpu.VMEM((NPAD,), jnp.float32),
        pltpu.VMEM((NPAD,), jnp.float32),
        pltpu.VMEM((SLICE,), jnp.float32),
        pltpu.VMEM((SLICE,), jnp.float32),
        pltpu.VMEM((SLICE,), jnp.float32),
        pltpu.VMEM_SHARED((NS, NPAD), jnp.float32),
        pltpu.VMEM_SHARED((NS, NPAD), jnp.float32),
    ],
)
def _segment_sum(ids_hbm, yb_hbm, sums_out, cnts_out,
                 idx_v, val_v, sums_l, cnts_l, tmp_v, acc_s, acc_c,
                 sums_sh, cnts_sh):
    c = lax.axis_index("c")
    s = lax.axis_index("s")
    wid = c * NS + s
    base = wid * CHUNK

    zeros16 = jnp.zeros((16,), jnp.float32)

    def zero_body(i, carry):
        for j in range(4):
            sums_l[pl.ds((i * 4 + j) * 16, 16)] = zeros16
            cnts_l[pl.ds((i * 4 + j) * 16, 16)] = zeros16
        return carry

    lax.fori_loop(0, NPAD // 64, zero_body, 0)

    pltpu.sync_copy(ids_hbm.at[pl.ds(base, CHUNK)], idx_v)
    pltpu.sync_copy(yb_hbm.at[pl.ds(base, CHUNK)], val_v)

    ones16 = jnp.ones((16,), jnp.float32)

    def scat_body(i, carry):
        for j in range(5):
            idx = idx_v[pl.ds((i * 5 + j) * 16, 16)]
            v = val_v[pl.ds((i * 5 + j) * 16, 16)]
            plsc.addupdate_scatter(sums_l, [idx], v)
            plsc.addupdate_scatter(cnts_l, [idx], ones16)
        return carry

    lax.fori_loop(0, CHUNK // 80, scat_body, 0)

    pltpu.sync_copy(sums_l, sums_sh.at[s])
    pltpu.sync_copy(cnts_l, cnts_sh.at[s])
    plsc.subcore_barrier()

    off = s * SLICE

    def zero_acc(i, carry):
        for j in range(4):
            acc_s[pl.ds((i * 4 + j) * 16, 16)] = zeros16
            acc_c[pl.ds((i * 4 + j) * 16, 16)] = zeros16
        return carry

    lax.fori_loop(0, SLICE // 64, zero_acc, 0)

    def red_row(t, carry):
        pltpu.sync_copy(sums_sh.at[t, pl.ds(off, SLICE)], tmp_v)

        def add_body(k, carry2):
            for j in range(4):
                o = (k * 4 + j) * 16
                acc_s[pl.ds(o, 16)] = acc_s[pl.ds(o, 16)] + tmp_v[pl.ds(o, 16)]
            return carry2

        lax.fori_loop(0, SLICE // 64, add_body, 0)
        pltpu.sync_copy(cnts_sh.at[t, pl.ds(off, SLICE)], tmp_v)

        def add_body2(k, carry2):
            for j in range(4):
                o = (k * 4 + j) * 16
                acc_c[pl.ds(o, 16)] = acc_c[pl.ds(o, 16)] + tmp_v[pl.ds(o, 16)]
            return carry2

        lax.fori_loop(0, SLICE // 64, add_body2, 0)
        return carry

    lax.fori_loop(0, NS, red_row, 0)

    pltpu.sync_copy(acc_s, sums_out.at[c, pl.ds(off, SLICE)])
    pltpu.sync_copy(acc_c, cnts_out.at[c, pl.ds(off, SLICE)])


def _softplus_vec(z):
    e = jnp.exp(-jnp.abs(z))
    u = e / (2.0 + e)
    u2 = u * u
    L = 2.0 * u * (1.0 + u2 * (1.0 / 3.0 + u2 * (0.2 + u2 * (1.0 / 7.0))))
    return jnp.maximum(z, 0.0) + L


@functools.partial(
    pl.kernel,
    mesh=_MESH,
    compiler_params=pltpu.CompilerParams(needs_layout_passes=False),
    out_type=jax.ShapeDtypeStruct((B,), jnp.float32),
    scratch_types=[
        pltpu.VMEM((CHUNK,), jnp.int32),
        pltpu.VMEM((NPAD,), jnp.float32),
        pltpu.VMEM((CHUNK,), jnp.float32),
        pltpu.VMEM((SLICE,), jnp.float32),
        pltpu.VMEM((SLICE,), jnp.float32),
        pltpu.VMEM((SLICE,), jnp.float32),
        pltpu.VMEM((16,), jnp.float32),
        pltpu.VMEM_SHARED((NPAD,), jnp.float32),
    ],
)
def _finish_gather(sums_hbm, cnts_hbm, bb_hbm, ids_hbm, out_hbm,
                   idx_v, tbl_v, out_v, p0_v, p1_v, fin_v, bb_v, fin_sh):
    c = lax.axis_index("c")
    s = lax.axis_index("s")
    wid = c * NS + s
    base = wid * CHUNK
    off = s * SLICE

    pltpu.sync_copy(ids_hbm.at[pl.ds(base, CHUNK)], idx_v)
    pltpu.sync_copy(bb_hbm, bb_v)

    pltpu.sync_copy(sums_hbm.at[0, pl.ds(off, SLICE)], p0_v)
    pltpu.sync_copy(sums_hbm.at[1, pl.ds(off, SLICE)], p1_v)
    bb = bb_v[pl.ds(0, 16)]

    def fs_body(k, carry):
        o = k * 16
        p0_v[pl.ds(o, 16)] = p0_v[pl.ds(o, 16)] + p1_v[pl.ds(o, 16)]
        return carry

    lax.fori_loop(0, SLICE // 16, fs_body, 0)
    pltpu.sync_copy(cnts_hbm.at[0, pl.ds(off, SLICE)], p1_v)
    pltpu.sync_copy(cnts_hbm.at[1, pl.ds(off, SLICE)], fin_v)

    def fin_body(k, carry):
        o = k * 16
        cnt = jnp.maximum(p1_v[pl.ds(o, 16)] + fin_v[pl.ds(o, 16)], 1.0)
        raw = p0_v[pl.ds(o, 16)] / cnt + bb
        fin_v[pl.ds(o, 16)] = _softplus_vec(raw)
        return carry

    lax.fori_loop(0, SLICE // 16, fin_body, 0)

    pltpu.sync_copy(fin_v, fin_sh.at[pl.ds(off, SLICE)])
    plsc.subcore_barrier()
    pltpu.sync_copy(fin_sh, tbl_v)

    def g_body(i, carry):
        for j in range(5):
            o = (i * 5 + j) * 16
            idx = idx_v[pl.ds(o, 16)]
            out_v[pl.ds(o, 16)] = plsc.load_gather(tbl_v, [idx])
        return carry

    lax.fori_loop(0, CHUNK // 80, g_body, 0)

    pltpu.sync_copy(out_v, out_hbm.at[pl.ds(base, CHUNK)])


def kernel(x, img_ids, W_alpha, b_alpha, W_beta, b_beta):
    ids = img_ids[:, 2].astype(jnp.int32)
    wa = W_alpha.reshape(1, F)
    wb = W_beta.reshape(1, F)
    ba = b_alpha.reshape(1, 1)
    bb16 = jnp.broadcast_to(b_beta.reshape(1), (16,)).astype(jnp.float32)

    alpha_d, yb_d = _matvec(x, wa, wb, ba)
    sums_p, cnts_p = _segment_sum(ids, yb_d.reshape(B))
    rate = _finish_gather(sums_p, cnts_p, bb16, ids)
    return alpha_d.reshape(-1), rate

# --- scband reference (transcript-rebuilt; emitter-appended) ---
"""Pipeline reference for scband-gamma-distribution-45122926412250 (READ-ONLY COPY).

The authoritative reference and input builder live on the scoring server;
editing this copy changes nothing except your own understanding.
"""

import jax, jax.numpy as jnp
import numpy as np

B, F, N_IMAGES = 320000, 128, 10000

def setup_inputs(seed: int = 0) -> dict:
    key = jax.random.key(seed)
    k1, k2, k3, k4 = jax.random.split(key, 4)
    x = jax.random.normal(k1, (B, F), dtype=jnp.float32)
    img_ids = jax.random.randint(k2, (B, 3), 0, N_IMAGES)
    W_alpha = jax.random.normal(k3, (F, 1), dtype=jnp.float32) * 0.02
    b_alpha = jnp.zeros((1,), dtype=jnp.float32)
    W_beta = jax.random.normal(k4, (F, 1), dtype=jnp.float32) * 0.02
    b_beta = jnp.zeros((1,), dtype=jnp.float32)
    return {"x": x, "img_ids": img_ids, "W_alpha": W_alpha, "b_alpha": b_alpha, "W_beta": W_beta, "b_beta": b_beta}

def reference(x, img_ids, W_alpha, b_alpha, W_beta, b_beta):
    ids = img_ids[:, 2]
    pooled_ids, per_ref_idx = jnp.unique(ids, return_inverse=True, size=N_IMAGES)
    per_ref_idx = per_ref_idx.reshape(-1)
    n_img = pooled_ids.shape[0]
    Bsz, Feat = x.shape
    # mean_pool_by_image: scatter-add sums and counts per segment
    sums = jnp.zeros((n_img, Feat), dtype=x.dtype).at[per_ref_idx].add(x)
    counts = jnp.zeros((n_img, 1), dtype=x.dtype).at[per_ref_idx].add(jnp.ones((Bsz, 1), dtype=x.dtype))
    pooled = sums / jnp.clip(counts, 1.0, None)
    raw_alpha = x @ W_alpha + b_alpha
    raw_r = pooled @ W_beta + b_beta
    rate_image = jax.nn.softplus(raw_r)
    rate = rate_image[per_ref_idx]
    alpha = jax.nn.softplus(raw_alpha) + 0.0001
    # Gamma distribution parameters (concentration, rate)
    return alpha.reshape(-1), rate.reshape(-1)

if __name__ == "__main__":
    import jax
    _d = setup_inputs()
    print(jax.jit(kernel)(*tuple(_d.values())))

</pallas_src>

<mosaic_0001>
#map = affine_map<(d0, d1) -> (0, 0)>
#map1 = affine_map<(d0, d1) -> (0)>
module attributes {stable_mosaic.version = 14 : i64} {
  func.func @_finish_gather(%arg0: i32, %arg1: i32, %arg2: memref<2x10240xf32, #tpu.memory_space<hbm>>, %arg3: memref<2x10240xf32, #tpu.memory_space<hbm>>, %arg4: memref<16xf32, #tpu.memory_space<hbm>>, %arg5: memref<320000xi32, #tpu.memory_space<hbm>>, %arg6: memref<320000xf32, #tpu.memory_space<hbm>>, %arg7: memref<10000xi32, #tpu.memory_space<vmem>>, %arg8: memref<10240xf32, #tpu.memory_space<vmem>>, %arg9: memref<10000xf32, #tpu.memory_space<vmem>>, %arg10: memref<640xf32, #tpu.memory_space<vmem>>, %arg11: memref<640xf32, #tpu.memory_space<vmem>>, %arg12: memref<640xf32, #tpu.memory_space<vmem>>, %arg13: memref<16xf32, #tpu.memory_space<vmem>>, %arg14: memref<10240xf32, #tpu.memory_space<vmem_shared>>) attributes {dimension_semantics = [#tpu.dimension_semantics<core_parallel>, #tpu.dimension_semantics<subcore_parallel>], iteration_bounds = array<i64: 2, 16>, scalar_prefetch = 0 : i64, scratch_operands = 8 : i64, tpu.core_type = #tpu.core_type<sc_vector_subcore>, window_params = [{transform_indices = #map}, {transform_indices = #map}, {transform_indices = #map1}, {transform_indices = #map1}, {transform_indices = #map1}]} {
    %mul3A = arith.constant 16 : i32
    %mul3A_0 = arith.muli %arg0, %mul3A : i32
    %add3A = arith.addi %mul3A_0, %arg1 : i32
    %mul3A_1 = arith.constant 10000 : i32
    %mul3A_2 = arith.muli %add3A, %mul3A_1 : i32
    %mul3A_3 = arith.constant 640 : i32
    %mul3A_4 = arith.muli %arg1, %mul3A_3 : i32
    "tpu.region"() ({
      %run_scoped3A_26 = tpu.sem_alloc : memref<!tpu.dma_semaphore, #tpu.memory_space<semaphore_mem>>
      %dma_start3A = tpu.memref_slice %arg5[%mul3A_2] : memref<320000xi32, #tpu.memory_space<hbm>> -> memref<10000xi32, #tpu.memory_space<hbm>>
      %dma_start3A_27 = tpu.memref_slice %arg5[%mul3A_2] : memref<320000xi32, #tpu.memory_space<hbm>> -> memref<10000xi32, #tpu.memory_space<hbm>>
      tpu.enqueue_dma source(%dma_start3A_27 : memref<10000xi32, #tpu.memory_space<hbm>>) target(%arg7 : memref<10000xi32, #tpu.memory_space<vmem>>) target_semaphore(%run_scoped3A_26 : memref<!tpu.dma_semaphore, #tpu.memory_space<semaphore_mem>>)
      %dma_wait3A = tpu.memref_slice %arg5[%mul3A_2] : memref<320000xi32, #tpu.memory_space<hbm>> -> memref<10000xi32, #tpu.memory_space<hbm>>
      %dma_wait3A_28 = tpu.memref_slice %arg5[%mul3A_2] : memref<320000xi32, #tpu.memory_space<hbm>> -> memref<10000xi32, #tpu.memory_space<hbm>>
      tpu.wait_dma2 semaphore(%run_scoped3A_26 : memref<!tpu.dma_semaphore, #tpu.memory_space<semaphore_mem>>) src(%dma_wait3A_28 : memref<10000xi32, #tpu.memory_space<hbm>>) dst(%arg7 : memref<10000xi32, #tpu.memory_space<vmem>>)
      tpu.yield
    }) : () -> ()
    "tpu.region"() ({
      %run_scoped3A_26 = tpu.sem_alloc : memref<!tpu.dma_semaphore, #tpu.memory_space<semaphore_mem>>
      tpu.enqueue_dma source(%arg4 : memref<16xf32, #tpu.memory_space<hbm>>) target(%arg13 : memref<16xf32, #tpu.memory_space<vmem>>) target_semaphore(%run_scoped3A_26 : memref<!tpu.dma_semaphore, #tpu.memory_space<semaphore_mem>>)
      tpu.wait_dma2 semaphore(%run_scoped3A_26 : memref<!tpu.dma_semaphore, #tpu.memory_space<semaphore_mem>>) src(%arg4 : memref<16xf32, #tpu.memory_space<hbm>>) dst(%arg13 : memref<16xf32, #tpu.memory_space<vmem>>)
      tpu.yield
    }) : () -> ()
    %run_scoped3A = arith.constant 0 : i32
    "tpu.region"() ({
      %run_scoped3A_26 = tpu.sem_alloc : memref<!tpu.dma_semaphore, #tpu.memory_space<semaphore_mem>>
      %dma_start3A = tpu.memref_slice %arg2[%run_scoped3A, %mul3A_4] : memref<2x10240xf32, #tpu.memory_space<hbm>> -> memref<1x640xf32, #tpu.memory_space<hbm>>
      %dma_start3A_27 = tpu.memref_squeeze %dma_start3A : memref<1x640xf32, #tpu.memory_space<hbm>> -> memref<640xf32, #tpu.memory_space<hbm>>
      %dma_start3A_28 = tpu.memref_slice %arg2[%run_scoped3A, %mul3A_4] : memref<2x10240xf32, #tpu.memory_space<hbm>> -> memref<1x640xf32, #tpu.memory_space<hbm>>
      %dma_start3A_29 = tpu.memref_squeeze %dma_start3A_28 : memref<1x640xf32, #tpu.memory_space<hbm>> -> memref<640xf32, #tpu.memory_space<hbm>>
      tpu.enqueue_dma source(%dma_start3A_29 : memref<640xf32, #tpu.memory_space<hbm>>) target(%arg10 : memref<640xf32, #tpu.memory_space<vmem>>) target_semaphore(%run_scoped3A_26 : memref<!tpu.dma_semaphore, #tpu.memory_space<semaphore_mem>>)
      %dma_wait3A = tpu.memref_slice %arg2[%run_scoped3A, %mul3A_4] : memref<2x10240xf32, #tpu.memory_space<hbm>> -> memref<1x640xf32, #tpu.memory_space<hbm>>
      %dma_wait3A_30 = tpu.memref_squeeze %dma_wait3A : memref<1x640xf32, #tpu.memory_space<hbm>> -> memref<640xf32, #tpu.memory_space<hbm>>
      %dma_wait3A_31 = tpu.memref_slice %arg2[%run_scoped3A, %mul3A_4] : memref<2x10240xf32, #tpu.memory_space<hbm>> -> memref<1x640xf32, #tpu.memory_space<hbm>>
      %dma_wait3A_32 = tpu.memref_squeeze %dma_wait3A_31 : memref<1x640xf32, #tpu.memory_space<hbm>> -> memref<640xf32, #tpu.memory_space<hbm>>
      tpu.wait_dma2 semaphore(%run_scoped3A_26 : memref<!tpu.dma_semaphore, #tpu.memory_space<semaphore_mem>>) src(%dma_wait3A_32 : memref<640xf32, #tpu.memory_space<hbm>>) dst(%arg10 : memref<640xf32, #tpu.memory_space<vmem>>)
      tpu.yield
    }) : () -> ()
    %run_scoped3A_5 = arith.constant 1 : i32
    "tpu.region"() ({
      %run_scoped3A_26 = tpu.sem_alloc : memref<!tpu.dma_semaphore, #tpu.memory_space<semaphore_mem>>
      %dma_start3A = tpu.memref_slice %arg2[%run_scoped3A_5, %mul3A_4] : memref<2x10240xf32, #tpu.memory_space<hbm>> -> memref<1x640xf32, #tpu.memory_space<hbm>>
      %dma_start3A_27 = tpu.memref_squeeze %dma_start3A : memref<1x640xf32, #tpu.memory_space<hbm>> -> memref<640xf32, #tpu.memory_space<hbm>>
      %dma_start3A_28 = tpu.memref_slice %arg2[%run_scoped3A_5, %mul3A_4] : memref<2x10240xf32, #tpu.memory_space<hbm>> -> memref<1x640xf32, #tpu.memory_space<hbm>>
      %dma_start3A_29 = tpu.memref_squeeze %dma_start3A_28 : memref<1x640xf32, #tpu.memory_space<hbm>> -> memref<640xf32, #tpu.memory_space<hbm>>
      tpu.enqueue_dma source(%dma_start3A_29 : memref<640xf32, #tpu.memory_space<hbm>>) target(%arg11 : memref<640xf32, #tpu.memory_space<vmem>>) target_semaphore(%run_scoped3A_26 : memref<!tpu.dma_semaphore, #tpu.memory_space<semaphore_mem>>)
      %dma_wait3A = tpu.memref_slice %arg2[%run_scoped3A_5, %mul3A_4] : memref<2x10240xf32, #tpu.memory_space<hbm>> -> memref<1x640xf32, #tpu.memory_space<hbm>>
      %dma_wait3A_30 = tpu.memref_squeeze %dma_wait3A : memref<1x640xf32, #tpu.memory_space<hbm>> -> memref<640xf32, #tpu.memory_space<hbm>>
      %dma_wait3A_31 = tpu.memref_slice %arg2[%run_scoped3A_5, %mul3A_4] : memref<2x10240xf32, #tpu.memory_space<hbm>> -> memref<1x640xf32, #tpu.memory_space<hbm>>
      %dma_wait3A_32 = tpu.memref_squeeze %dma_wait3A_31 : memref<1x640xf32, #tpu.memory_space<hbm>> -> memref<640xf32, #tpu.memory_space<hbm>>
      tpu.wait_dma2 semaphore(%run_scoped3A_26 : memref<!tpu.dma_semaphore, #tpu.memory_space<semaphore_mem>>) src(%dma_wait3A_32 : memref<640xf32, #tpu.memory_space<hbm>>) dst(%arg11 : memref<640xf32, #tpu.memory_space<vmem>>)
      tpu.yield
    }) : () -> ()
    %get3A = arith.constant 0 : index
    %get3A_6 = tpu.vector_load %arg13[%get3A] {strides = array<i32>} : memref<16xf32, #tpu.memory_space<vmem>>, vector<16xf32>,
    %scan3A = arith.constant 0 : i32
    %scan3A_7 = arith.constant 0 : i32
    %scan3A_8 = arith.constant 40 : i32
    %scan3A_9 = arith.addi %scan3A_7, %scan3A_8 : i32
    %scan3A_10 = arith.constant 1 : i32
    scf.for %scan3A_26 = %scan3A_7 to %scan3A_9 step %scan3A_10  : i32 {
      %mul3A_27 = arith.constant 16 : i32
      %mul3A_28 = arith.muli %scan3A_26, %mul3A_27 : i32
      %get3A_29 = arith.index_cast %mul3A_28 : i32 to index
      %get3A_30 = tpu.vector_load %arg10[%get3A_29] {strides = array<i32>} : memref<640xf32, #tpu.memory_space<vmem>>, vector<16xf32>,
      %get3A_31 = arith.index_cast %mul3A_28 : i32 to index
      %get3A_32 = tpu.vector_load %arg11[%get3A_31] {strides = array<i32>} : memref<640xf32, #tpu.memory_space<vmem>>, vector<16xf32>,
      %add3A_33 = arith.addf %get3A_30, %get3A_32 : vector<16xf32>
      %swap3A = arith.index_cast %mul3A_28 : i32 to index
      %swap3A_34 = tpu.vector_load %arg10[%swap3A] {strides = array<i32>} : memref<640xf32, #tpu.memory_space<vmem>>, vector<16xf32>,
      tpu.vector_store %arg10[%swap3A], %add3A_33 {strides = array<i32>} : memref<640xf32, #tpu.memory_space<vmem>>, vector<16xf32>,
    }
    %scan3A_11 = arith.constant 40 : i32
    %run_scoped3A_12 = arith.constant 0 : i32
    "tpu.region"() ({
      %run_scoped3A_26 = tpu.sem_alloc : memref<!tpu.dma_semaphore, #tpu.memory_space<semaphore_mem>>
      %dma_start3A = tpu.memref_slice %arg3[%run_scoped3A_12, %mul3A_4] : memref<2x10240xf32, #tpu.memory_space<hbm>> -> memref<1x640xf32, #tpu.memory_space<hbm>>
      %dma_start3A_27 = tpu.memref_squeeze %dma_start3A : memref<1x640xf32, #tpu.memory_space<hbm>> -> memref<640xf32, #tpu.memory_space<hbm>>
      %dma_start3A_28 = tpu.memref_slice %arg3[%run_scoped3A_12, %mul3A_4] : memref<2x10240xf32, #tpu.memory_space<hbm>> -> memref<1x640xf32, #tpu.memory_space<hbm>>
      %dma_start3A_29 = tpu.memref_squeeze %dma_start3A_28 : memref<1x640xf32, #tpu.memory_space<hbm>> -> memref<640xf32, #tpu.memory_space<hbm>>
      tpu.enqueue_dma source(%dma_start3A_29 : memref<640xf32, #tpu.memory_space<hbm>>) target(%arg11 : memref<640xf32, #tpu.memory_space<vmem>>) target_semaphore(%run_scoped3A_26 : memref<!tpu.dma_semaphore, #tpu.memory_space<semaphore_mem>>)
      %dma_wait3A = tpu.memref_slice %arg3[%run_scoped3A_12, %mul3A_4] : memref<2x10240xf32, #tpu.memory_space<hbm>> -> memref<1x640xf32, #tpu.memory_space<hbm>>
      %dma_wait3A_30 = tpu.memref_squeeze %dma_wait3A : memref<1x640xf32, #tpu.memory_space<hbm>> -> memref<640xf32, #tpu.memory_space<hbm>>
      %dma_wait3A_31 = tpu.memref_slice %arg3[%run_scoped3A_12, %mul3A_4] : memref<2x10240xf32, #tpu.memory_space<hbm>> -> memref<1x640xf32, #tpu.memory_space<hbm>>
      %dma_wait3A_32 = tpu.memref_squeeze %dma_wait3A_31 : memref<1x640xf32, #tpu.memory_space<hbm>> -> memref<640xf32, #tpu.memory_space<hbm>>
      tpu.wait_dma2 semaphore(%run_scoped3A_26 : memref<!tpu.dma_semaphore, #tpu.memory_space<semaphore_mem>>) src(%dma_wait3A_32 : memref<640xf32, #tpu.memory_space<hbm>>) dst(%arg11 : memref<640xf32, #tpu.memory_space<vmem>>)
      tpu.yield
    }) : () -> ()
    %run_scoped3A_13 = arith.constant 1 : i32
    "tpu.region"() ({
      %run_scoped3A_26 = tpu.sem_alloc : memref<!tpu.dma_semaphore, #tpu.memory_space<semaphore_mem>>
      %dma_start3A = tpu.memref_slice %arg3[%run_scoped3A_13, %mul3A_4] : memref<2x10240xf32, #tpu.memory_space<hbm>> -> memref<1x640xf32, #tpu.memory_space<hbm>>
      %dma_start3A_27 = tpu.memref_squeeze %dma_start3A : memref<1x640xf32, #tpu.memory_space<hbm>> -> memref<640xf32, #tpu.memory_space<hbm>>
      %dma_start3A_28 = tpu.memref_slice %arg3[%run_scoped3A_13, %mul3A_4] : memref<2x10240xf32, #tpu.memory_space<hbm>> -> memref<1x640xf32, #tpu.memory_space<hbm>>
      %dma_start3A_29 = tpu.memref_squeeze %dma_start3A_28 : memref<1x640xf32, #tpu.memory_space<hbm>> -> memref<640xf32, #tpu.memory_space<hbm>>
      tpu.enqueue_dma source(%dma_start3A_29 : memref<640xf32, #tpu.memory_space<hbm>>) target(%arg12 : memref<640xf32, #tpu.memory_space<vmem>>) target_semaphore(%run_scoped3A_26 : memref<!tpu.dma_semaphore, #tpu.memory_space<semaphore_mem>>)
      %dma_wait3A = tpu.memref_slice %arg3[%run_scoped3A_13, %mul3A_4] : memref<2x10240xf32, #tpu.memory_space<hbm>> -> memref<1x640xf32, #tpu.memory_space<hbm>>
      %dma_wait3A_30 = tpu.memref_squeeze %dma_wait3A : memref<1x640xf32, #tpu.memory_space<hbm>> -> memref<640xf32, #tpu.memory_space<hbm>>
      %dma_wait3A_31 = tpu.memref_slice %arg3[%run_scoped3A_13, %mul3A_4] : memref<2x10240xf32, #tpu.memory_space<hbm>> -> memref<1x640xf32, #tpu.memory_space<hbm>>
      %dma_wait3A_32 = tpu.memref_squeeze %dma_wait3A_31 : memref<1x640xf32, #tpu.memory_space<hbm>> -> memref<640xf32, #tpu.memory_space<hbm>>
      tpu.wait_dma2 semaphore(%run_scoped3A_26 : memref<!tpu.dma_semaphore, #tpu.memory_space<semaphore_mem>>) src(%dma_wait3A_32 : memref<640xf32, #tpu.memory_space<hbm>>) dst(%arg12 : memref<640xf32, #tpu.memory_space<vmem>>)
      tpu.yield
    }) : () -> ()
    %scan3A_14 = arith.constant 0 : i32
    %scan3A_15 = arith.constant 0 : i32
    %scan3A_16 = arith.constant 40 : i32
    %scan3A_17 = arith.addi %scan3A_15, %scan3A_16 : i32
    %scan3A_18 = arith.constant 1 : i32
    scf.for %scan3A_26 = %scan3A_15 to %scan3A_17 step %scan3A_18  : i32 {
      %mul3A_27 = arith.constant 16 : i32
      %mul3A_28 = arith.muli %scan3A_26, %mul3A_27 : i32
      %get3A_29 = arith.index_cast %mul3A_28 : i32 to index
      %get3A_30 = tpu.vector_load %arg11[%get3A_29] {strides = array<i32>} : memref<640xf32, #tpu.memory_space<vmem>>, vector<16xf32>,
      %get3A_31 = arith.index_cast %mul3A_28 : i32 to index
      %get3A_32 = tpu.vector_load %arg12[%get3A_31] {strides = array<i32>} : memref<640xf32, #tpu.memory_space<vmem>>, vector<16xf32>,
      %add3A_33 = arith.addf %get3A_30, %get3A_32 : vector<16xf32>
      %max3A = arith.constant 1.000000e+00 : f32
      %max3A_34 = vector.broadcast %max3A : f32 to vector<16xf32>
      %max3A_35 = arith.maximumf %add3A_33, %max3A_34 : vector<16xf32>
      %get3A_36 = arith.index_cast %mul3A_28 : i32 to index
      %get3A_37 = tpu.vector_load %arg10[%get3A_36] {strides = array<i32>} : memref<640xf32, #tpu.memory_space<vmem>>, vector<16xf32>,
      %div3A = arith.divf %get3A_37, %max3A_35 : vector<16xf32>
      %add3A_38 = arith.addf %div3A, %get3A_6 : vector<16xf32>
      %abs3A = math.absf %add3A_38 : vector<16xf32>
      %neg3A = arith.constant 0.000000e+00 : f32
      %neg3A_39 = vector.broadcast %neg3A : f32 to vector<16xf32>
      %neg3A_40 = arith.subf %neg3A_39, %abs3A : vector<16xf32>
      %exp3A = math.exp %neg3A_40 : vector<16xf32>
      %add3A_41 = arith.constant 2.000000e+00 : f32
      %add3A_42 = vector.broadcast %add3A_41 : f32 to vector<16xf32>
      %add3A_43 = arith.addf %add3A_42, %exp3A : vector<16xf32>
      %div3A_44 = arith.divf %exp3A, %add3A_43 : vector<16xf32>
      %mul3A_45 = arith.mulf %div3A_44, %div3A_44 : vector<16xf32>
      %mul3A_46 = arith.constant 2.000000e+00 : f32
      %mul3A_47 = vector.broadcast %mul3A_46 : f32 to vector<16xf32>
      %mul3A_48 = arith.mulf %mul3A_47, %div3A_44 : vector<16xf32>
      %mul3A_49 = arith.constant 0.142857149 : f32
      %mul3A_50 = vector.broadcast %mul3A_49 : f32 to vector<16xf32>
      %mul3A_51 = arith.mulf %mul3A_45, %mul3A_50 : vector<16xf32>
      %add3A_52 = arith.constant 2.000000e-01 : f32
      %add3A_53 = vector.broadcast %add3A_52 : f32 to vector<16xf32>
      %add3A_54 = arith.addf %add3A_53, %mul3A_51 : vector<16xf32>
      %mul3A_55 = arith.mulf %mul3A_45, %add3A_54 : vector<16xf32>
      %add3A_56 = arith.constant 0.333333343 : f32
      %add3A_57 = vector.broadcast %add3A_56 : f32 to vector<16xf32>
      %add3A_58 = arith.addf %add3A_57, %mul3A_55 : vector<16xf32>
      %mul3A_59 = arith.mulf %mul3A_45, %add3A_58 : vector<16xf32>
      %add3A_60 = arith.constant 1.000000e+00 : f32
      %add3A_61 = vector.broadcast %add3A_60 : f32 to vector<16xf32>
      %add3A_62 = arith.addf %add3A_61, %mul3A_59 : vector<16xf32>
      %mul3A_63 = arith.mulf %mul3A_48, %add3A_62 : vector<16xf32>
      %max3A_64 = arith.constant 0.000000e+00 : f32
      %max3A_65 = vector.broadcast %max3A_64 : f32 to vector<16xf32>
      %max3A_66 = arith.maximumf %add3A_38, %max3A_65 : vector<16xf32>
      %add3A_67 = arith.addf %max3A_66, %mul3A_63 : vector<16xf32>
      %swap3A = arith.index_cast %mul3A_28 : i32 to index
      %swap3A_68 = tpu.vector_load %arg12[%swap3A] {strides = array<i32>} : memref<640xf32, #tpu.memory_space<vmem>>, vector<16xf32>,
      tpu.vector_store %arg12[%swap3A], %add3A_67 {strides = array<i32>} : memref<640xf32, #tpu.memory_space<vmem>>, vector<16xf32>,
    }
    %scan3A_19 = arith.constant 40 : i32
    "tpu.region"() ({
      %run_scoped3A_26 = tpu.sem_alloc : memref<!tpu.dma_semaphore, #tpu.memory_space<semaphore_mem>>
      %dma_start3A = tpu.memref_slice %arg14[%mul3A_4] : memref<10240xf32, #tpu.memory_space<vmem_shared>> -> memref<640xf32, #tpu.memory_space<vmem_shared>>
      %dma_start3A_27 = tpu.memref_slice %arg14[%mul3A_4] : memref<10240xf32, #tpu.memory_space<vmem_shared>> -> memref<640xf32, #tpu.memory_space<vmem_shared>>
      tpu.enqueue_dma source(%arg12 : memref<640xf32, #tpu.memory_space<vmem>>) target(%dma_start3A_27 : memref<640xf32, #tpu.memory_space<vmem_shared>>) target_semaphore(%run_scoped3A_26 : memref<!tpu.dma_semaphore, #tpu.memory_space<semaphore_mem>>)
      %dma_wait3A = tpu.memref_slice %arg14[%mul3A_4] : memref<10240xf32, #tpu.memory_space<vmem_shared>> -> memref<640xf32, #tpu.memory_space<vmem_shared>>
      %dma_wait3A_28 = tpu.memref_slice %arg14[%mul3A_4] : memref<10240xf32, #tpu.memory_space<vmem_shared>> -> memref<640xf32, #tpu.memory_space<vmem_shared>>
      tpu.wait_dma2 semaphore(%run_scoped3A_26 : memref<!tpu.dma_semaphore, #tpu.memory_space<semaphore_mem>>) src(%arg12 : memref<640xf32, #tpu.memory_space<vmem>>) dst(%dma_wait3A_28 : memref<640xf32, #tpu.memory_space<vmem_shared>>)
      tpu.yield
    }) : () -> ()
    %barrier3A = arith.constant 0 : index
    tpu.barrier barrier_id(%barrier3A)
    "tpu.region"() ({
      %run_scoped3A_26 = tpu.sem_alloc : memref<!tpu.dma_semaphore, #tpu.memory_space<semaphore_mem>>
      tpu.enqueue_dma source(%arg14 : memref<10240xf32, #tpu.memory_space<vmem_shared>>) target(%arg8 : memref<10240xf32, #tpu.memory_space<vmem>>) target_semaphore(%run_scoped3A_26 : memref<!tpu.dma_semaphore, #tpu.memory_space<semaphore_mem>>)
      tpu.wait_dma2 semaphore(%run_scoped3A_26 : memref<!tpu.dma_semaphore, #tpu.memory_space<semaphore_mem>>) src(%arg14 : memref<10240xf32, #tpu.memory_space<vmem_shared>>) dst(%arg8 : memref<10240xf32, #tpu.memory_space<vmem>>)
      tpu.yield
    }) : () -> ()
    %scan3A_20 = arith.constant 0 : i32
    %scan3A_21 = arith.constant 0 : i32
    %scan3A_22 = arith.constant 125 : i32
    %scan3A_23 = arith.addi %scan3A_21, %scan3A_22 : i32
    %scan3A_24 = arith.constant 1 : i32
    scf.for %scan3A_26 = %scan3A_21 to %scan3A_23 step %scan3A_24  : i32 {
      %mul3A_27 = arith.constant 5 : i32
      %mul3A_28 = arith.muli %scan3A_26, %mul3A_27 : i32
      %add3A_29 = arith.constant 0 : i32
      %add3A_30 = arith.addi %mul3A_28, %add3A_29 : i32
      %mul3A_31 = arith.constant 16 : i32
      %mul3A_32 = arith.muli %add3A_30, %mul3A_31 : i32
      %get3A_33 = arith.index_cast %mul3A_32 : i32 to index
      %get3A_34 = tpu.vector_load %arg7[%get3A_33] {strides = array<i32>} : memref<10000xi32, #tpu.memory_space<vmem>>, vector<16xi32>,
      %gather3A = tpu.vector_load_idx %arg8[%get3A_34] : memref<10240xf32, #tpu.memory_space<vmem>>[vector<16xi32>], vector<16xf32>,
      %swap3A = arith.index_cast %mul3A_32 : i32 to index
      %swap3A_35 = tpu.vector_load %arg9[%swap3A] {strides = array<i32>} : memref<10000xf32, #tpu.memory_space<vmem>>, vector<16xf32>,
      tpu.vector_store %arg9[%swap3A], %gather3A {strides = array<i32>} : memref<10000xf32, #tpu.memory_space<vmem>>, vector<16xf32>,
      %mul3A_36 = arith.constant 5 : i32
      %mul3A_37 = arith.muli %scan3A_26, %mul3A_36 : i32
      %add3A_38 = arith.constant 1 : i32
      %add3A_39 = arith.addi %mul3A_37, %add3A_38 : i32
      %mul3A_40 = arith.constant 16 : i32
      %mul3A_41 = arith.muli %add3A_39, %mul3A_40 : i32
      %get3A_42 = arith.index_cast %mul3A_41 : i32 to index
      %get3A_43 = tpu.vector_load %arg7[%get3A_42] {strides = array<i32>} : memref<10000xi32, #tpu.memory_space<vmem>>, vector<16xi32>,
      %gather3A_44 = tpu.vector_load_idx %arg8[%get3A_43] : memref<10240xf32, #tpu.memory_space<vmem>>[vector<16xi32>], vector<16xf32>,
      %swap3A_45 = arith.index_cast %mul3A_41 : i32 to index
      %swap3A_46 = tpu.vector_load %arg9[%swap3A_45] {strides = array<i32>} : memref<10000xf32, #tpu.memory_space<vmem>>, vector<16xf32>,
      tpu.vector_store %arg9[%swap3A_45], %gather3A_44 {strides = array<i32>} : memref<10000xf32, #tpu.memory_space<vmem>>, vector<16xf32>,
      %mul3A_47 = arith.constant 5 : i32
      %mul3A_48 = arith.muli %scan3A_26, %mul3A_47 : i32
      %add3A_49 = arith.constant 2 : i32
      %add3A_50 = arith.addi %mul3A_48, %add3A_49 : i32
      %mul3A_51 = arith.constant 16 : i32
      %mul3A_52 = arith.muli %add3A_50, %mul3A_51 : i32
      %get3A_53 = arith.index_cast %mul3A_52 : i32 to index
      %get3A_54 = tpu.vector_load %arg7[%get3A_53] {strides = array<i32>} : memref<10000xi32, #tpu.memory_space<vmem>>, vector<16xi32>,
      %gather3A_55 = tpu.vector_load_idx %arg8[%get3A_54] : memref<10240xf32, #tpu.memory_space<vmem>>[vector<16xi32>], vector<16xf32>,
      %swap3A_56 = arith.index_cast %mul3A_52 : i32 to index
      %swap3A_57 = tpu.vector_load %arg9[%swap3A_56] {strides = array<i32>} : memref<10000xf32, #tpu.memory_space<vmem>>, vector<16xf32>,
      tpu.vector_store %arg9[%swap3A_56], %gather3A_55 {strides = array<i32>} : memref<10000xf32, #tpu.memory_space<vmem>>, vector<16xf32>,
      %mul3A_58 = arith.constant 5 : i32
      %mul3A_59 = arith.muli %scan3A_26, %mul3A_58 : i32
      %add3A_60 = arith.constant 3 : i32
      %add3A_61 = arith.addi %mul3A_59, %add3A_60 : i32
      %mul3A_62 = arith.constant 16 : i32
      %mul3A_63 = arith.muli %add3A_61, %mul3A_62 : i32
      %get3A_64 = arith.index_cast %mul3A_63 : i32 to index
      %get3A_65 = tpu.vector_load %arg7[%get3A_64] {strides = array<i32>} : memref<10000xi32, #tpu.memory_space<vmem>>, vector<16xi32>,
      %gather3A_66 = tpu.vector_load_idx %arg8[%get3A_65] : memref<10240xf32, #tpu.memory_space<vmem>>[vector<16xi32>], vector<16xf32>,
      %swap3A_67 = arith.index_cast %mul3A_63 : i32 to index
      %swap3A_68 = tpu.vector_load %arg9[%swap3A_67] {strides = array<i32>} : memref<10000xf32, #tpu.memory_space<vmem>>, vector<16xf32>,
      tpu.vector_store %arg9[%swap3A_67], %gather3A_66 {strides = array<i32>} : memref<10000xf32, #tpu.memory_space<vmem>>, vector<16xf32>,
      %mul3A_69 = arith.constant 5 : i32
      %mul3A_70 = arith.muli %scan3A_26, %mul3A_69 : i32
      %add3A_71 = arith.constant 4 : i32
      %add3A_72 = arith.addi %mul3A_70, %add3A_71 : i32
      %mul3A_73 = arith.constant 16 : i32
      %mul3A_74 = arith.muli %add3A_72, %mul3A_73 : i32
      %get3A_75 = arith.index_cast %mul3A_74 : i32 to index
      %get3A_76 = tpu.vector_load %arg7[%get3A_75] {strides = array<i32>} : memref<10000xi32, #tpu.memory_space<vmem>>, vector<16xi32>,
      %gather3A_77 = tpu.vector_load_idx %arg8[%get3A_76] : memref<10240xf32, #tpu.memory_space<vmem>>[vector<16xi32>], vector<16xf32>,
      %swap3A_78 = arith.index_cast %mul3A_74 : i32 to index
      %swap3A_79 = tpu.vector_load %arg9[%swap3A_78] {strides = array<i32>} : memref<10000xf32, #tpu.memory_space<vmem>>, vector<16xf32>,
      tpu.vector_store %arg9[%swap3A_78], %gather3A_77 {strides = array<i32>} : memref<10000xf32, #tpu.memory_space<vmem>>, vector<16xf32>,
    }
    %scan3A_25 = arith.constant 125 : i32
    "tpu.region"() ({
      %run_scoped3A_26 = tpu.sem_alloc : memref<!tpu.dma_semaphore, #tpu.memory_space<semaphore_mem>>
      %dma_start3A = tpu.memref_slice %arg6[%mul3A_2] : memref<320000xf32, #tpu.memory_space<hbm>> -> memref<10000xf32, #tpu.memory_space<hbm>>
      %dma_start3A_27 = tpu.memref_slice %arg6[%mul3A_2] : memref<320000xf32, #tpu.memory_space<hbm>> -> memref<10000xf32, #tpu.memory_space<hbm>>
      tpu.enqueue_dma source(%arg9 : memref<10000xf32, #tpu.memory_space<vmem>>) target(%dma_start3A_27 : memref<10000xf32, #tpu.memory_space<hbm>>) target_semaphore(%run_scoped3A_26 : memref<!tpu.dma_semaphore, #tpu.memory_space<semaphore_mem>>)
      %dma_wait3A = tpu.memref_slice %arg6[%mul3A_2] : memref<320000xf32, #tpu.memory_space<hbm>> -> memref<10000xf32, #tpu.memory_space<hbm>>
      %dma_wait3A_28 = tpu.memref_slice %arg6[%mul3A_2] : memref<320000xf32, #tpu.memory_space<hbm>> -> memref<10000xf32, #tpu.memory_space<hbm>>
      tpu.wait_dma2 semaphore(%run_scoped3A_26 : memref<!tpu.dma_semaphore, #tpu.memory_space<semaphore_mem>>) src(%arg9 : memref<10000xf32, #tpu.memory_space<vmem>>) dst(%dma_wait3A_28 : memref<10000xf32, #tpu.memory_space<hbm>>)
      tpu.yield
    }) : () -> ()
    return
  }
}

#map = affine_map<(d0, d1) -> (0)>
#map1 = affine_map<(d0, d1) -> (0, 0)>
module attributes {stable_mosaic.version = 14 : i64} {
  func.func @_segment_sum(%arg0: i32, %arg1: i32, %arg2: memref<320000xi32, #tpu.memory_space<hbm>>, %arg3: memref<320000xf32, #tpu.memory_space<hbm>>, %arg4: memref<2x10240xf32, #tpu.memory_space<hbm>>, %arg5: memref<2x10240xf32, #tpu.memory_space<hbm>>, %arg6: memref<10000xi32, #tpu.memory_space<vmem>>, %arg7: memref<10000xf32, #tpu.memory_space<vmem>>, %arg8: memref<10240xf32, #tpu.memory_space<vmem>>, %arg9: memref<10240xf32, #tpu.memory_space<vmem>>, %arg10: memref<640xf32, #tpu.memory_space<vmem>>, %arg11: memref<640xf32, #tpu.memory_space<vmem>>, %arg12: memref<640xf32, #tpu.memory_space<vmem>>, %arg13: memref<16x10240xf32, #tpu.memory_space<vmem_shared>>, %arg14: memref<16x10240xf32, #tpu.memory_space<vmem_shared>>) attributes {dimension_semantics = [#tpu.dimension_semantics<core_parallel>, #tpu.dimension_semantics<subcore_parallel>], iteration_bounds = array<i64: 2, 16>, scalar_prefetch = 0 : i64, scratch_operands = 9 : i64, tpu.core_type = #tpu.core_type<sc_vector_subcore>, window_params = [{transform_indices = #map}, {transform_indices = #map}, {transform_indices = #map1}, {transform_indices = #map1}]} {
    %mul3A = arith.constant 16 : i32
    %mul3A_0 = arith.muli %arg0, %mul3A : i32
    %add3A = arith.addi %mul3A_0, %arg1 : i32
    %mul3A_1 = arith.constant 10000 : i32
    %mul3A_2 = arith.muli %add3A, %mul3A_1 : i32
    %broadcast_in_dim3A = arith.constant 0.000000e+00 : f32
    %broadcast_in_dim3A_3 = vector.broadcast %broadcast_in_dim3A : f32 to vector<16xf32>
    %scan3A = arith.constant 0 : i32
    %scan3A_4 = arith.constant 0 : i32
    %scan3A_5 = arith.constant 160 : i32
    %scan3A_6 = arith.addi %scan3A_4, %scan3A_5 : i32
    %scan3A_7 = arith.constant 1 : i32
    scf.for %scan3A_31 = %scan3A_4 to %scan3A_6 step %scan3A_7  : i32 {
      %mul3A_32 = arith.constant 4 : i32
      %mul3A_33 = arith.muli %scan3A_31, %mul3A_32 : i32
      %add3A_34 = arith.constant 0 : i32
      %add3A_35 = arith.addi %mul3A_33, %add3A_34 : i32
      %mul3A_36 = arith.constant 16 : i32
      %mul3A_37 = arith.muli %add3A_35, %mul3A_36 : i32
      %swap3A = arith.index_cast %mul3A_37 : i32 to index
      %swap3A_38 = tpu.vector_load %arg8[%swap3A] {strides = array<i32>} : memref<10240xf32, #tpu.memory_space<vmem>>, vector<16xf32>,
      tpu.vector_store %arg8[%swap3A], %broadcast_in_dim3A_3 {strides = array<i32>} : memref<10240xf32, #tpu.memory_space<vmem>>, vector<16xf32>,
      %mul3A_39 = arith.constant 4 : i32
      %mul3A_40 = arith.muli %scan3A_31, %mul3A_39 : i32
      %add3A_41 = arith.constant 0 : i32
      %add3A_42 = arith.addi %mul3A_40, %add3A_41 : i32
      %mul3A_43 = arith.constant 16 : i32
      %mul3A_44 = arith.muli %add3A_42, %mul3A_43 : i32
      %swap3A_45 = arith.index_cast %mul3A_44 : i32 to index
      %swap3A_46 = tpu.vector_load %arg9[%swap3A_45] {strides = array<i32>} : memref<10240xf32, #tpu.memory_space<vmem>>, vector<16xf32>,
      tpu.vector_store %arg9[%swap3A_45], %broadcast_in_dim3A_3 {strides = array<i32>} : memref<10240xf32, #tpu.memory_space<vmem>>, vector<16xf32>,
      %mul3A_47 = arith.constant 4 : i32
      %mul3A_48 = arith.muli %scan3A_31, %mul3A_47 : i32
      %add3A_49 = arith.constant 1 : i32
      %add3A_50 = arith.addi %mul3A_48, %add3A_49 : i32
      %mul3A_51 = arith.constant 16 : i32
      %mul3A_52 = arith.muli %add3A_50, %mul3A_51 : i32
      %swap3A_53 = arith.index_cast %mul3A_52 : i32 to index
      %swap3A_54 = tpu.vector_load %arg8[%swap3A_53] {strides = array<i32>} : memref<10240xf32, #tpu.memory_space<vmem>>, vector<16xf32>,
      tpu.vector_store %arg8[%swap3A_53], %broadcast_in_dim3A_3 {strides = array<i32>} : memref<10240xf32, #tpu.memory_space<vmem>>, vector<16xf32>,
      %mul3A_55 = arith.constant 4 : i32
      %mul3A_56 = arith.muli %scan3A_31, %mul3A_55 : i32
      %add3A_57 = arith.constant 1 : i32
      %add3A_58 = arith.addi %mul3A_56, %add3A_57 : i32
      %mul3A_59 = arith.constant 16 : i32
      %mul3A_60 = arith.muli %add3A_58, %mul3A_59 : i32
      %swap3A_61 = arith.index_cast %mul3A_60 : i32 to index
      %swap3A_62 = tpu.vector_load %arg9[%swap3A_61] {strides = array<i32>} : memref<10240xf32, #tpu.memory_space<vmem>>, vector<16xf32>,
      tpu.vector_store %arg9[%swap3A_61], %broadcast_in_dim3A_3 {strides = array<i32>} : memref<10240xf32, #tpu.memory_space<vmem>>, vector<16xf32>,
      %mul3A_63 = arith.constant 4 : i32
      %mul3A_64 = arith.muli %scan3A_31, %mul3A_63 : i32
      %add3A_65 = arith.constant 2 : i32
      %add3A_66 = arith.addi %mul3A_64, %add3A_65 : i32
      %mul3A_67 = arith.constant 16 : i32
      %mul3A_68 = arith.muli %add3A_66, %mul3A_67 : i32
      %swap3A_69 = arith.index_cast %mul3A_68 : i32 to index
      %swap3A_70 = tpu.vector_load %arg8[%swap3A_69] {strides = array<i32>} : memref<10240xf32, #tpu.memory_space<vmem>>, vector<16xf32>,
      tpu.vector_store %arg8[%swap3A_69], %broadcast_in_dim3A_3 {strides = array<i32>} : memref<10240xf32, #tpu.memory_space<vmem>>, vector<16xf32>,
      %mul3A_71 = arith.constant 4 : i32
      %mul3A_72 = arith.muli %scan3A_31, %mul3A_71 : i32
      %add3A_73 = arith.constant 2 : i32
      %add3A_74 = arith.addi %mul3A_72, %add3A_73 : i32
      %mul3A_75 = arith.constant 16 : i32
      %mul3A_76 = arith.muli %add3A_74, %mul3A_75 : i32
      %swap3A_77 = arith.index_cast %mul3A_76 : i32 to index
      %swap3A_78 = tpu.vector_load %arg9[%swap3A_77] {strides = array<i32>} : memref<10240xf32, #tpu.memory_space<vmem>>, vector<16xf32>,
      tpu.vector_store %arg9[%swap3A_77], %broadcast_in_dim3A_3 {strides = array<i32>} : memref<10240xf32, #tpu.memory_space<vmem>>, vector<16xf32>,
      %mul3A_79 = arith.constant 4 : i32
      %mul3A_80 = arith.muli %scan3A_31, %mul3A_79 : i32
      %add3A_81 = arith.constant 3 : i32
      %add3A_82 = arith.addi %mul3A_80, %add3A_81 : i32
      %mul3A_83 = arith.constant 16 : i32
      %mul3A_84 = arith.muli %add3A_82, %mul3A_83 : i32
      %swap3A_85 = arith.index_cast %mul3A_84 : i32 to index
      %swap3A_86 = tpu.vector_load %arg8[%swap3A_85] {strides = array<i32>} : memref<10240xf32, #tpu.memory_space<vmem>>, vector<16xf32>,
      tpu.vector_store %arg8[%swap3A_85], %broadcast_in_dim3A_3 {strides = array<i32>} : memref<10240xf32, #tpu.memory_space<vmem>>, vector<16xf32>,
      %mul3A_87 = arith.constant 4 : i32
      %mul3A_88 = arith.muli %scan3A_31, %mul3A_87 : i32
      %add3A_89 = arith.constant 3 : i32
      %add3A_90 = arith.addi %mul3A_88, %add3A_89 : i32
      %mul3A_91 = arith.constant 16 : i32
      %mul3A_92 = arith.muli %add3A_90, %mul3A_91 : i32
      %swap3A_93 = arith.index_cast %mul3A_92 : i32 to index
      %swap3A_94 = tpu.vector_load %arg9[%swap3A_93] {strides = array<i32>} : memref<10240xf32, #tpu.memory_space<vmem>>, vector<16xf32>,
      tpu.vector_store %arg9[%swap3A_93], %broadcast_in_dim3A_3 {strides = array<i32>} : memref<10240xf32, #tpu.memory_space<vmem>>, vector<16xf32>,
    }
    %scan3A_8 = arith.constant 160 : i32
    "tpu.region"() ({
      %run_scoped3A = tpu.sem_alloc : memref<!tpu.dma_semaphore, #tpu.memory_space<semaphore_mem>>
      %dma_start3A = tpu.memref_slice %arg2[%mul3A_2] : memref<320000xi32, #tpu.memory_space<hbm>> -> memref<10000xi32, #tpu.memory_space<hbm>>
      %dma_start3A_31 = tpu.memref_slice %arg2[%mul3A_2] : memref<320000xi32, #tpu.memory_space<hbm>> -> memref<10000xi32, #tpu.memory_space<hbm>>
      tpu.enqueue_dma source(%dma_start3A_31 : memref<10000xi32, #tpu.memory_space<hbm>>) target(%arg6 : memref<10000xi32, #tpu.memory_space<vmem>>) target_semaphore(%run_scoped3A : memref<!tpu.dma_semaphore, #tpu.memory_space<semaphore_mem>>)
      %dma_wait3A = tpu.memref_slice %arg2[%mul3A_2] : memref<320000xi32, #tpu.memory_space<hbm>> -> memref<10000xi32, #tpu.memory_space<hbm>>
      %dma_wait3A_32 = tpu.memref_slice %arg2[%mul3A_2] : memref<320000xi32, #tpu.memory_space<hbm>> -> memref<10000xi32, #tpu.memory_space<hbm>>
      tpu.wait_dma2 semaphore(%run_scoped3A : memref<!tpu.dma_semaphore, #tpu.memory_space<semaphore_mem>>) src(%dma_wait3A_32 : memref<10000xi32, #tpu.memory_space<hbm>>) dst(%arg6 : memref<10000xi32, #tpu.memory_space<vmem>>)
      tpu.yield
    }) : () -> ()
    "tpu.region"() ({
      %run_scoped3A = tpu.sem_alloc : memref<!tpu.dma_semaphore, #tpu.memory_space<semaphore_mem>>
      %dma_start3A = tpu.memref_slice %arg3[%mul3A_2] : memref<320000xf32, #tpu.memory_space<hbm>> -> memref<10000xf32, #tpu.memory_space<hbm>>
      %dma_start3A_31 = tpu.memref_slice %arg3[%mul3A_2] : memref<320000xf32, #tpu.memory_space<hbm>> -> memref<10000xf32, #tpu.memory_space<hbm>>
      tpu.enqueue_dma source(%dma_start3A_31 : memref<10000xf32, #tpu.memory_space<hbm>>) target(%arg7 : memref<10000xf32, #tpu.memory_space<vmem>>) target_semaphore(%run_scoped3A : memref<!tpu.dma_semaphore, #tpu.memory_space<semaphore_mem>>)
      %dma_wait3A = tpu.memref_slice %arg3[%mul3A_2] : memref<320000xf32, #tpu.memory_space<hbm>> -> memref<10000xf32, #tpu.memory_space<hbm>>
      %dma_wait3A_32 = tpu.memref_slice %arg3[%mul3A_2] : memref<320000xf32, #tpu.memory_space<hbm>> -> memref<10000xf32, #tpu.memory_space<hbm>>
      tpu.wait_dma2 semaphore(%run_scoped3A : memref<!tpu.dma_semaphore, #tpu.memory_space<semaphore_mem>>) src(%dma_wait3A_32 : memref<10000xf32, #tpu.memory_space<hbm>>) dst(%arg7 : memref<10000xf32, #tpu.memory_space<vmem>>)
      tpu.yield
    }) : () -> ()
    %broadcast_in_dim3A_9 = arith.constant 1.000000e+00 : f32
    %broadcast_in_dim3A_10 = vector.broadcast %broadcast_in_dim3A_9 : f32 to vector<16xf32>
    %scan3A_11 = arith.constant 0 : i32
    %scan3A_12 = arith.constant 0 : i32
    %scan3A_13 = arith.constant 125 : i32
    %scan3A_14 = arith.addi %scan3A_12, %scan3A_13 : i32
    %scan3A_15 = arith.constant 1 : i32
    scf.for %scan3A_31 = %scan3A_12 to %scan3A_14 step %scan3A_15  : i32 {
      %mul3A_32 = arith.constant 5 : i32
      %mul3A_33 = arith.muli %scan3A_31, %mul3A_32 : i32
      %add3A_34 = arith.constant 0 : i32
      %add3A_35 = arith.addi %mul3A_33, %add3A_34 : i32
      %mul3A_36 = arith.constant 16 : i32
      %mul3A_37 = arith.muli %add3A_35, %mul3A_36 : i32
      %get3A = arith.index_cast %mul3A_37 : i32 to index
      %get3A_38 = tpu.vector_load %arg6[%get3A] {strides = array<i32>} : memref<10000xi32, #tpu.memory_space<vmem>>, vector<16xi32>,
      %mul3A_39 = arith.constant 5 : i32
      %mul3A_40 = arith.muli %scan3A_31, %mul3A_39 : i32
      %add3A_41 = arith.constant 0 : i32
      %add3A_42 = arith.addi %mul3A_40, %add3A_41 : i32
      %mul3A_43 = arith.constant 16 : i32
      %mul3A_44 = arith.muli %add3A_42, %mul3A_43 : i32
      %get3A_45 = arith.index_cast %mul3A_44 : i32 to index
      %get3A_46 = tpu.vector_load %arg7[%get3A_45] {strides = array<i32>} : memref<10000xf32, #tpu.memory_space<vmem>>, vector<16xf32>,
      tpu.vector_store_idx %arg8[%get3A_38], %get3A_46 {add = true} : memref<10240xf32, #tpu.memory_space<vmem>>[vector<16xi32>], vector<16xf32>,
      tpu.vector_store_idx %arg9[%get3A_38], %broadcast_in_dim3A_10 {add = true} : memref<10240xf32, #tpu.memory_space<vmem>>[vector<16xi32>], vector<16xf32>,
      %mul3A_47 = arith.constant 5 : i32
      %mul3A_48 = arith.muli %scan3A_31, %mul3A_47 : i32
      %add3A_49 = arith.constant 1 : i32
      %add3A_50 = arith.addi %mul3A_48, %add3A_49 : i32
      %mul3A_51 = arith.constant 16 : i32
      %mul3A_52 = arith.muli %add3A_50, %mul3A_51 : i32
      %get3A_53 = arith.index_cast %mul3A_52 : i32 to index
      %get3A_54 = tpu.vector_load %arg6[%get3A_53] {strides = array<i32>} : memref<10000xi32, #tpu.memory_space<vmem>>, vector<16xi32>,
      %mul3A_55 = arith.constant 5 : i32
      %mul3A_56 = arith.muli %scan3A_31, %mul3A_55 : i32
      %add3A_57 = arith.constant 1 : i32
      %add3A_58 = arith.addi %mul3A_56, %add3A_57 : i32
      %mul3A_59 = arith.constant 16 : i32
      %mul3A_60 = arith.muli %add3A_58, %mul3A_59 : i32
      %get3A_61 = arith.index_cast %mul3A_60 : i32 to index
      %get3A_62 = tpu.vector_load %arg7[%get3A_61] {strides = array<i32>} : memref<10000xf32, #tpu.memory_space<vmem>>, vector<16xf32>,
      tpu.vector_store_idx %arg8[%get3A_54], %get3A_62 {add = true} : memref<10240xf32, #tpu.memory_space<vmem>>[vector<16xi32>], vector<16xf32>,
      tpu.vector_store_idx %arg9[%get3A_54], %broadcast_in_dim3A_10 {add = true} : memref<10240xf32, #tpu.memory_space<vmem>>[vector<16xi32>], vector<16xf32>,
      %mul3A_63 = arith.constant 5 : i32
      %mul3A_64 = arith.muli %scan3A_31, %mul3A_63 : i32
      %add3A_65 = arith.constant 2 : i32
      %add3A_66 = arith.addi %mul3A_64, %add3A_65 : i32
      %mul3A_67 = arith.constant 16 : i32
      %mul3A_68 = arith.muli %add3A_66, %mul3A_67 : i32
      %get3A_69 = arith.index_cast %mul3A_68 : i32 to index
      %get3A_70 = tpu.vector_load %arg6[%get3A_69] {strides = array<i32>} : memref<10000xi32, #tpu.memory_space<vmem>>, vector<16xi32>,
      %mul3A_71 = arith.constant 5 : i32
      %mul3A_72 = arith.muli %scan3A_31, %mul3A_71 : i32
      %add3A_73 = arith.constant 2 : i32
      %add3A_74 = arith.addi %mul3A_72, %add3A_73 : i32
      %mul3A_75 = arith.constant 16 : i32
      %mul3A_76 = arith.muli %add3A_74, %mul3A_75 : i32
      %get3A_77 = arith.index_cast %mul3A_76 : i32 to index
      %get3A_78 = tpu.vector_load %arg7[%get3A_77] {strides = array<i32>} : memref<10000xf32, #tpu.memory_space<vmem>>, vector<16xf32>,
      tpu.vector_store_idx %arg8[%get3A_70], %get3A_78 {add = true} : memref<10240xf32, #tpu.memory_space<vmem>>[vector<16xi32>], vector<16xf32>,
      tpu.vector_store_idx %arg9[%get3A_70], %broadcast_in_dim3A_10 {add = true} : memref<10240xf32, #tpu.memory_space<vmem>>[vector<16xi32>], vector<16xf32>,
      %mul3A_79 = arith.constant 5 : i32
      %mul3A_80 = arith.muli %scan3A_31, %mul3A_79 : i32
      %add3A_81 = arith.constant 3 : i32
      %add3A_82 = arith.addi %mul3A_80, %add3A_81 : i32
      %mul3A_83 = arith.constant 16 : i32
      %mul3A_84 = arith.muli %add3A_82, %mul3A_83 : i32
      %get3A_85 = arith.index_cast %mul3A_84 : i32 to index
      %get3A_86 = tpu.vector_load %arg6[%get3A_85] {strides = array<i32>} : memref<10000xi32, #tpu.memory_space<vmem>>, vector<16xi32>,
      %mul3A_87 = arith.constant 5 : i32
      %mul3A_88 = arith.muli %scan3A_31, %mul3A_87 : i32
      %add3A_89 = arith.constant 3 : i32
      %add3A_90 = arith.addi %mul3A_88, %add3A_89 : i32
      %mul3A_91 = arith.constant 16 : i32
      %mul3A_92 = arith.muli %add3A_90, %mul3A_91 : i32
      %get3A_93 = arith.index_cast %mul3A_92 : i32 to index
      %get3A_94 = tpu.vector_load %arg7[%get3A_93] {strides = array<i32>} : memref<10000xf32, #tpu.memory_space<vmem>>, vector<16xf32>,
      tpu.vector_store_idx %arg8[%get3A_86], %get3A_94 {add = true} : memref<10240xf32, #tpu.memory_space<vmem>>[vector<16xi32>], vector<16xf32>,
      tpu.vector_store_idx %arg9[%get3A_86], %broadcast_in_dim3A_10 {add = true} : memref<10240xf32, #tpu.memory_space<vmem>>[vector<16xi32>], vector<16xf32>,
      %mul3A_95 = arith.constant 5 : i32
      %mul3A_96 = arith.muli %scan3A_31, %mul3A_95 : i32
      %add3A_97 = arith.constant 4 : i32
      %add3A_98 = arith.addi %mul3A_96, %add3A_97 : i32
      %mul3A_99 = arith.constant 16 : i32
      %mul3A_100 = arith.muli %add3A_98, %mul3A_99 : i32
      %get3A_101 = arith.index_cast %mul3A_100 : i32 to index
      %get3A_102 = tpu.vector_load %arg6[%get3A_101] {strides = array<i32>} : memref<10000xi32, #tpu.memory_space<vmem>>, vector<16xi32>,
      %mul3A_103 = arith.constant 5 : i32
      %mul3A_104 = arith.muli %scan3A_31, %mul3A_103 : i32
      %add3A_105 = arith.constant 4 : i32
      %add3A_106 = arith.addi %mul3A_104, %add3A_105 : i32
      %mul3A_107 = arith.constant 16 : i32
      %mul3A_108 = arith.muli %add3A_106, %mul3A_107 : i32
      %get3A_109 = arith.index_cast %mul3A_108 : i32 to index
      %get3A_110 = tpu.vector_load %arg7[%get3A_109] {strides = array<i32>} : memref<10000xf32, #tpu.memory_space<vmem>>, vector<16xf32>,
      tpu.vector_store_idx %arg8[%get3A_102], %get3A_110 {add = true} : memref<10240xf32, #tpu.memory_space<vmem>>[vector<16xi32>], vector<16xf32>,
      tpu.vector_store_idx %arg9[%get3A_102], %broadcast_in_dim3A_10 {add = true} : memref<10240xf32, #tpu.memory_space<vmem>>[vector<16xi32>], vector<16xf32>,
    }
    %scan3A_16 = arith.constant 125 : i32
    "tpu.region"() ({
      %run_scoped3A = tpu.sem_alloc : memref<!tpu.dma_semaphore, #tpu.memory_space<semaphore_mem>>
      %dma_start3A = arith.constant 0 : i32
      %dma_start3A_31 = tpu.memref_slice %arg13[%arg1, %dma_start3A] : memref<16x10240xf32, #tpu.memory_space<vmem_shared>> -> memref<1x10240xf32, #tpu.memory_space<vmem_shared>>
      %dma_start3A_32 = tpu.memref_squeeze %dma_start3A_31 : memref<1x10240xf32, #tpu.memory_space<vmem_shared>> -> memref<10240xf32, #tpu.memory_space<vmem_shared>>
      %dma_start3A_33 = arith.constant 0 : i32
      %dma_start3A_34 = tpu.memref_slice %arg13[%arg1, %dma_start3A_33] : memref<16x10240xf32, #tpu.memory_space<vmem_shared>> -> memref<1x10240xf32, #tpu.memory_space<vmem_shared>>
      %dma_start3A_35 = tpu.memref_squeeze %dma_start3A_34 : memref<1x10240xf32, #tpu.memory_space<vmem_shared>> -> memref<10240xf32, #tpu.memory_space<vmem_shared>>
      tpu.enqueue_dma source(%arg8 : memref<10240xf32, #tpu.memory_space<vmem>>) target(%dma_start3A_35 : memref<10240xf32, #tpu.memory_space<vmem_shared>>) target_semaphore(%run_scoped3A : memref<!tpu.dma_semaphore, #tpu.memory_space<semaphore_mem>>)
      %dma_wait3A = arith.constant 0 : i32
      %dma_wait3A_36 = tpu.memref_slice %arg13[%arg1, %dma_wait3A] : memref<16x10240xf32, #tpu.memory_space<vmem_shared>> -> memref<1x10240xf32, #tpu.memory_space<vmem_shared>>
      %dma_wait3A_37 = tpu.memref_squeeze %dma_wait3A_36 : memref<1x10240xf32, #tpu.memory_space<vmem_shared>> -> memref<10240xf32, #tpu.memory_space<vmem_shared>>
      %dma_wait3A_38 = arith.constant 0 : i32
      %dma_wait3A_39 = tpu.memref_slice %arg13[%arg1, %dma_wait3A_38] : memref<16x10240xf32, #tpu.memory_space<vmem_shared>> -> memref<1x10240xf32, #tpu.memory_space<vmem_shared>>
      %dma_wait3A_40 = tpu.memref_squeeze %dma_wait3A_39 : memref<1x10240xf32, #tpu.memory_space<vmem_shared>> -> memref<10240xf32, #tpu.memory_space<vmem_shared>>
      tpu.wait_dma2 semaphore(%run_scoped3A : memref<!tpu.dma_semaphore, #tpu.memory_space<semaphore_mem>>) src(%arg8 : memref<10240xf32, #tpu.memory_space<vmem>>) dst(%dma_wait3A_40 : memref<10240xf32, #tpu.memory_space<vmem_shared>>)
      tpu.yield
    }) : () -> ()
    "tpu.region"() ({
      %run_scoped3A = tpu.sem_alloc : memref<!tpu.dma_semaphore, #tpu.memory_space<semaphore_mem>>
      %dma_start3A = arith.constant 0 : i32
      %dma_start3A_31 = tpu.memref_slice %arg14[%arg1, %dma_start3A] : memref<16x10240xf32, #tpu.memory_space<vmem_shared>> -> memref<1x10240xf32, #tpu.memory_space<vmem_shared>>
      %dma_start3A_32 = tpu.memref_squeeze %dma_start3A_31 : memref<1x10240xf32, #tpu.memory_space<vmem_shared>> -> memref<10240xf32, #tpu.memory_space<vmem_shared>>
      %dma_start3A_33 = arith.constant 0 : i32
      %dma_start3A_34 = tpu.memref_slice %arg14[%arg1, %dma_start3A_33] : memref<16x10240xf32, #tpu.memory_space<vmem_shared>> -> memref<1x10240xf32, #tpu.memory_space<vmem_shared>>
      %dma_start3A_35 = tpu.memref_squeeze %dma_start3A_34 : memref<1x10240xf32, #tpu.memory_space<vmem_shared>> -> memref<10240xf32, #tpu.memory_space<vmem_shared>>
      tpu.enqueue_dma source(%arg9 : memref<10240xf32, #tpu.memory_space<vmem>>) target(%dma_start3A_35 : memref<10240xf32, #tpu.memory_space<vmem_shared>>) target_semaphore(%run_scoped3A : memref<!tpu.dma_semaphore, #tpu.memory_space<semaphore_mem>>)
      %dma_wait3A = arith.constant 0 : i32
      %dma_wait3A_36 = tpu.memref_slice %arg14[%arg1, %dma_wait3A] : memref<16x10240xf32, #tpu.memory_space<vmem_shared>> -> memref<1x10240xf32, #tpu.memory_space<vmem_shared>>
      %dma_wait3A_37 = tpu.memref_squeeze %dma_wait3A_36 : memref<1x10240xf32, #tpu.memory_space<vmem_shared>> -> memref<10240xf32, #tpu.memory_space<vmem_shared>>
      %dma_wait3A_38 = arith.constant 0 : i32
      %dma_wait3A_39 = tpu.memref_slice %arg14[%arg1, %dma_wait3A_38] : memref<16x10240xf32, #tpu.memory_space<vmem_shared>> -> memref<1x10240xf32, #tpu.memory_space<vmem_shared>>
      %dma_wait3A_40 = tpu.memref_squeeze %dma_wait3A_39 : memref<1x10240xf32, #tpu.memory_space<vmem_shared>> -> memref<10240xf32, #tpu.memory_space<vmem_shared>>
      tpu.wait_dma2 semaphore(%run_scoped3A : memref<!tpu.dma_semaphore, #tpu.memory_space<semaphore_mem>>) src(%arg9 : memref<10240xf32, #tpu.memory_space<vmem>>) dst(%dma_wait3A_40 : memref<10240xf32, #tpu.memory_space<vmem_shared>>)
      tpu.yield
    }) : () -> ()
    %barrier3A = arith.constant 0 : index
    tpu.barrier barrier_id(%barrier3A)
    %mul3A_17 = arith.constant 640 : i32
    %mul3A_18 = arith.muli %arg1, %mul3A_17 : i32
    %scan3A_19 = arith.constant 0 : i32
    %scan3A_20 = arith.constant 0 : i32
    %scan3A_21 = arith.constant 10 : i32
    %scan3A_22 = arith.addi %scan3A_20, %scan3A_21 : i32
    %scan3A_23 = arith.constant 1 : i32
    scf.for %scan3A_31 = %scan3A_20 to %scan3A_22 step %scan3A_23  : i32 {
      %mul3A_32 = arith.constant 4 : i32
      %mul3A_33 = arith.muli %scan3A_31, %mul3A_32 : i32
      %add3A_34 = arith.constant 0 : i32
      %add3A_35 = arith.addi %mul3A_33, %add3A_34 : i32
      %mul3A_36 = arith.constant 16 : i32
      %mul3A_37 = arith.muli %add3A_35, %mul3A_36 : i32
      %swap3A = arith.index_cast %mul3A_37 : i32 to index
      %swap3A_38 = tpu.vector_load %arg11[%swap3A] {strides = array<i32>} : memref<640xf32, #tpu.memory_space<vmem>>, vector<16xf32>,
      tpu.vector_store %arg11[%swap3A], %broadcast_in_dim3A_3 {strides = array<i32>} : memref<640xf32, #tpu.memory_space<vmem>>, vector<16xf32>,
      %mul3A_39 = arith.constant 4 : i32
      %mul3A_40 = arith.muli %scan3A_31, %mul3A_39 : i32
      %add3A_41 = arith.constant 0 : i32
      %add3A_42 = arith.addi %mul3A_40, %add3A_41 : i32
      %mul3A_43 = arith.constant 16 : i32
      %mul3A_44 = arith.muli %add3A_42, %mul3A_43 : i32
      %swap3A_45 = arith.index_cast %mul3A_44 : i32 to index
      %swap3A_46 = tpu.vector_load %arg12[%swap3A_45] {strides = array<i32>} : memref<640xf32, #tpu.memory_space<vmem>>, vector<16xf32>,
      tpu.vector_store %arg12[%swap3A_45], %broadcast_in_dim3A_3 {strides = array<i32>} : memref<640xf32, #tpu.memory_space<vmem>>, vector<16xf32>,
      %mul3A_47 = arith.constant 4 : i32
      %mul3A_48 = arith.muli %scan3A_31, %mul3A_47 : i32
      %add3A_49 = arith.constant 1 : i32
      %add3A_50 = arith.addi %mul3A_48, %add3A_49 : i32
      %mul3A_51 = arith.constant 16 : i32
      %mul3A_52 = arith.muli %add3A_50, %mul3A_51 : i32
      %swap3A_53 = arith.index_cast %mul3A_52 : i32 to index
      %swap3A_54 = tpu.vector_load %arg11[%swap3A_53] {strides = array<i32>} : memref<640xf32, #tpu.memory_space<vmem>>, vector<16xf32>,
      tpu.vector_store %arg11[%swap3A_53], %broadcast_in_dim3A_3 {strides = array<i32>} : memref<640xf32, #tpu.memory_space<vmem>>, vector<16xf32>,
      %mul3A_55 = arith.constant 4 : i32
      %mul3A_56 = arith.muli %scan3A_31, %mul3A_55 : i32
      %add3A_57 = arith.constant 1 : i32
      %add3A_58 = arith.addi %mul3A_56, %add3A_57 : i32
      %mul3A_59 = arith.constant 16 : i32
      %mul3A_60 = arith.muli %add3A_58, %mul3A_59 : i32
      %swap3A_61 = arith.index_cast %mul3A_60 : i32 to index
      %swap3A_62 = tpu.vector_load %arg12[%swap3A_61] {strides = array<i32>} : memref<640xf32, #tpu.memory_space<vmem>>, vector<16xf32>,
      tpu.vector_store %arg12[%swap3A_61], %broadcast_in_dim3A_3 {strides = array<i32>} : memref<640xf32, #tpu.memory_space<vmem>>, vector<16xf32>,
      %mul3A_63 = arith.constant 4 : i32
      %mul3A_64 = arith.muli %scan3A_31, %mul3A_63 : i32
      %add3A_65 = arith.constant 2 : i32
      %add3A_66 = arith.addi %mul3A_64, %add3A_65 : i32
      %mul3A_67 = arith.constant 16 : i32
      %mul3A_68 = arith.muli %add3A_66, %mul3A_67 : i32
      %swap3A_69 = arith.index_cast %mul3A_68 : i32 to index
      %swap3A_70 = tpu.vector_load %arg11[%swap3A_69] {strides = array<i32>} : memref<640xf32, #tpu.memory_space<vmem>>, vector<16xf32>,
      tpu.vector_store %arg11[%swap3A_69], %broadcast_in_dim3A_3 {strides = array<i32>} : memref<640xf32, #tpu.memory_space<vmem>>, vector<16xf32>,
      %mul3A_71 = arith.constant 4 : i32
      %mul3A_72 = arith.muli %scan3A_31, %mul3A_71 : i32
      %add3A_73 = arith.constant 2 : i32
      %add3A_74 = arith.addi %mul3A_72, %add3A_73 : i32
      %mul3A_75 = arith.constant 16 : i32
      %mul3A_76 = arith.muli %add3A_74, %mul3A_75 : i32
      %swap3A_77 = arith.index_cast %mul3A_76 : i32 to index
      %swap3A_78 = tpu.vector_load %arg12[%swap3A_77] {strides = array<i32>} : memref<640xf32, #tpu.memory_space<vmem>>, vector<16xf32>,
      tpu.vector_store %arg12[%swap3A_77], %broadcast_in_dim3A_3 {strides = array<i32>} : memref<640xf32, #tpu.memory_space<vmem>>, vector<16xf32>,
      %mul3A_79 = arith.constant 4 : i32
      %mul3A_80 = arith.muli %scan3A_31, %mul3A_79 : i32
      %add3A_81 = arith.constant 3 : i32
      %add3A_82 = arith.addi %mul3A_80, %add3A_81 : i32
      %mul3A_83 = arith.constant 16 : i32
      %mul3A_84 = arith.muli %add3A_82, %mul3A_83 : i32
      %swap3A_85 = arith.index_cast %mul3A_84 : i32 to index
      %swap3A_86 = tpu.vector_load %arg11[%swap3A_85] {strides = array<i32>} : memref<640xf32, #tpu.memory_space<vmem>>, vector<16xf32>,
      tpu.vector_store %arg11[%swap3A_85], %broadcast_in_dim3A_3 {strides = array<i32>} : memref<640xf32, #tpu.memory_space<vmem>>, vector<16xf32>,
      %mul3A_87 = arith.constant 4 : i32
      %mul3A_88 = arith.muli %scan3A_31, %mul3A_87 : i32
      %add3A_89 = arith.constant 3 : i32
      %add3A_90 = arith.addi %mul3A_88, %add3A_89 : i32
      %mul3A_91 = arith.constant 16 : i32
      %mul3A_92 = arith.muli %add3A_90, %mul3A_91 : i32
      %swap3A_93 = arith.index_cast %mul3A_92 : i32 to index
      %swap3A_94 = tpu.vector_load %arg12[%swap3A_93] {strides = array<i32>} : memref<640xf32, #tpu.memory_space<vmem>>, vector<16xf32>,
      tpu.vector_store %arg12[%swap3A_93], %broadcast_in_dim3A_3 {strides = array<i32>} : memref<640xf32, #tpu.memory_space<vmem>>, vector<16xf32>,
    }
    %scan3A_24 = arith.constant 10 : i32
    %scan3A_25 = arith.constant 0 : i32
    %scan3A_26 = arith.constant 0 : i32
    %scan3A_27 = arith.constant 16 : i32
    %scan3A_28 = arith.addi %scan3A_26, %scan3A_27 : i32
    %scan3A_29 = arith.constant 1 : i32
    scf.for %scan3A_31 = %scan3A_26 to %scan3A_28 step %scan3A_29  : i32 {
      "tpu.region"() ({
        %run_scoped3A = tpu.sem_alloc : memref<!tpu.dma_semaphore, #tpu.memory_space<semaphore_mem>>
        %dma_start3A = tpu.memref_slice %arg13[%scan3A_31, %mul3A_18] : memref<16x10240xf32, #tpu.memory_space<vmem_shared>> -> memref<1x640xf32, #tpu.memory_space<vmem_shared>>
        %dma_start3A_44 = tpu.memref_squeeze %dma_start3A : memref<1x640xf32, #tpu.memory_space<vmem_shared>> -> memref<640xf32, #tpu.memory_space<vmem_shared>>
        %dma_start3A_45 = tpu.memref_slice %arg13[%scan3A_31, %mul3A_18] : memref<16x10240xf32, #tpu.memory_space<vmem_shared>> -> memref<1x640xf32, #tpu.memory_space<vmem_shared>>
        %dma_start3A_46 = tpu.memref_squeeze %dma_start3A_45 : memref<1x640xf32, #tpu.memory_space<vmem_shared>> -> memref<640xf32, #tpu.memory_space<vmem_shared>>
        tpu.enqueue_dma source(%dma_start3A_46 : memref<640xf32, #tpu.memory_space<vmem_shared>>) target(%arg10 : memref<640xf32, #tpu.memory_space<vmem>>) target_semaphore(%run_scoped3A : memref<!tpu.dma_semaphore, #tpu.memory_space<semaphore_mem>>)
        %dma_wait3A = tpu.memref_slice %arg13[%scan3A_31, %mul3A_18] : memref<16x10240xf32, #tpu.memory_space<vmem_shared>> -> memref<1x640xf32, #tpu.memory_space<vmem_shared>>
        %dma_wait3A_47 = tpu.memref_squeeze %dma_wait3A : memref<1x640xf32, #tpu.memory_space<vmem_shared>> -> memref<640xf32, #tpu.memory_space<vmem_shared>>
        %dma_wait3A_48 = tpu.memref_slice %arg13[%scan3A_31, %mul3A_18] : memref<16x10240xf32, #tpu.memory_space<vmem_shared>> -> memref<1x640xf32, #tpu.memory_space<vmem_shared>>
        %dma_wait3A_49 = tpu.memref_squeeze %dma_wait3A_48 : memref<1x640xf32, #tpu.memory_space<vmem_shared>> -> memref<640xf32, #tpu.memory_space<vmem_shared>>
        tpu.wait_dma2 semaphore(%run_scoped3A : memref<!tpu.dma_semaphore, #tpu.memory_space<semaphore_mem>>) src(%dma_wait3A_49 : memref<640xf32, #tpu.memory_space<vmem_shared>>) dst(%arg10 : memref<640xf32, #tpu.memory_space<vmem>>)
        tpu.yield
      }) : () -> ()
      %scan3A_32 = arith.constant 0 : i32
      %scan3A_33 = arith.constant 0 : i32
      %scan3A_34 = arith.constant 10 : i32
      %scan3A_35 = arith.addi %scan3A_33, %scan3A_34 : i32
      %scan3A_36 = arith.constant 1 : i32
      scf.for %scan3A_44 = %scan3A_33 to %scan3A_35 step %scan3A_36  : i32 {
        %mul3A_45 = arith.constant 4 : i32
        %mul3A_46 = arith.muli %scan3A_44, %mul3A_45 : i32
        %add3A_47 = arith.constant 0 : i32
        %add3A_48 = arith.addi %mul3A_46, %add3A_47 : i32
        %mul3A_49 = arith.constant 16 : i32
        %mul3A_50 = arith.muli %add3A_48, %mul3A_49 : i32
        %get3A = arith.index_cast %mul3A_50 : i32 to index
        %get3A_51 = tpu.vector_load %arg11[%get3A] {strides = array<i32>} : memref<640xf32, #tpu.memory_space<vmem>>, vector<16xf32>,
        %get3A_52 = arith.index_cast %mul3A_50 : i32 to index
        %get3A_53 = tpu.vector_load %arg10[%get3A_52] {strides = array<i32>} : memref<640xf32, #tpu.memory_space<vmem>>, vector<16xf32>,
        %add3A_54 = arith.addf %get3A_51, %get3A_53 : vector<16xf32>
        %swap3A = arith.index_cast %mul3A_50 : i32 to index
        %swap3A_55 = tpu.vector_load %arg11[%swap3A] {strides = array<i32>} : memref<640xf32, #tpu.memory_space<vmem>>, vector<16xf32>,
        tpu.vector_store %arg11[%swap3A], %add3A_54 {strides = array<i32>} : memref<640xf32, #tpu.memory_space<vmem>>, vector<16xf32>,
        %mul3A_56 = arith.constant 4 : i32
        %mul3A_57 = arith.muli %scan3A_44, %mul3A_56 : i32
        %add3A_58 = arith.constant 1 : i32
        %add3A_59 = arith.addi %mul3A_57, %add3A_58 : i32
        %mul3A_60 = arith.constant 16 : i32
        %mul3A_61 = arith.muli %add3A_59, %mul3A_60 : i32
        %get3A_62 = arith.index_cast %mul3A_61 : i32 to index
        %get3A_63 = tpu.vector_load %arg11[%get3A_62] {strides = array<i32>} : memref<640xf32, #tpu.memory_space<vmem>>, vector<16xf32>,
        %get3A_64 = arith.index_cast %mul3A_61 : i32 to index
        %get3A_65 = tpu.vector_load %arg10[%get3A_64] {strides = array<i32>} : memref<640xf32, #tpu.memory_space<vmem>>, vector<16xf32>,
        %add3A_66 = arith.addf %get3A_63, %get3A_65 : vector<16xf32>
        %swap3A_67 = arith.index_cast %mul3A_61 : i32 to index
        %swap3A_68 = tpu.vector_load %arg11[%swap3A_67] {strides = array<i32>} : memref<640xf32, #tpu.memory_space<vmem>>, vector<16xf32>,
        tpu.vector_store %arg11[%swap3A_67], %add3A_66 {strides = array<i32>} : memref<640xf32, #tpu.memory_space<vmem>>, vector<16xf32>,
        %mul3A_69 = arith.constant 4 : i32
        %mul3A_70 = arith.muli %scan3A_44, %mul3A_69 : i32
        %add3A_71 = arith.constant 2 : i32
        %add3A_72 = arith.addi %mul3A_70, %add3A_71 : i32
        %mul3A_73 = arith.constant 16 : i32
        %mul3A_74 = arith.muli %add3A_72, %mul3A_73 : i32
        %get3A_75 = arith.index_cast %mul3A_74 : i32 to index
        %get3A_76 = tpu.vector_load %arg11[%get3A_75] {strides = array<i32>} : memref<640xf32, #tpu.memory_space<vmem>>, vector<16xf32>,
        %get3A_77 = arith.index_cast %mul3A_74 : i32 to index
        %get3A_78 = tpu.vector_load %arg10[%get3A_77] {strides = array<i32>} : memref<640xf32, #tpu.memory_space<vmem>>, vector<16xf32>,
        %add3A_79 = arith.addf %get3A_76, %get3A_78 : vector<16xf32>
        %swap3A_80 = arith.index_cast %mul3A_74 : i32 to index
        %swap3A_81 = tpu.vector_load %arg11[%swap3A_80] {strides = array<i32>} : memref<640xf32, #tpu.memory_space<vmem>>, vector<16xf32>,
        tpu.vector_store %arg11[%swap3A_80], %add3A_79 {strides = array<i32>} : memref<640xf32, #tpu.memory_space<vmem>>, vector<16xf32>,
        %mul3A_82 = arith.constant 4 : i32
        %mul3A_83 = arith.muli %scan3A_44, %mul3A_82 : i32
        %add3A_84 = arith.constant 3 : i32
        %add3A_85 = arith.addi %mul3A_83, %add3A_84 : i32
        %mul3A_86 = arith.constant 16 : i32
        %mul3A_87 = arith.muli %add3A_85, %mul3A_86 : i32
        %get3A_88 = arith.index_cast %mul3A_87 : i32 to index
        %get3A_89 = tpu.vector_load %arg11[%get3A_88] {strides = array<i32>} : memref<640xf32, #tpu.memory_space<vmem>>, vector<16xf32>,
        %get3A_90 = arith.index_cast %mul3A_87 : i32 to index
        %get3A_91 = tpu.vector_load %arg10[%get3A_90] {strides = array<i32>} : memref<640xf32, #tpu.memory_space<vmem>>, vector<16xf32>,
        %add3A_92 = arith.addf %get3A_89, %get3A_91 : vector<16xf32>
        %swap3A_93 = arith.index_cast %mul3A_87 : i32 to index
        %swap3A_94 = tpu.vector_load %arg11[%swap3A_93] {strides = array<i32>} : memref<640xf32, #tpu.memory_space<vmem>>, vector<16xf32>,
        tpu.vector_store %arg11[%swap3A_93], %add3A_92 {strides = array<i32>} : memref<640xf32, #tpu.memory_space<vmem>>, vector<16xf32>,
      }
      %scan3A_37 = arith.constant 10 : i32
      "tpu.region"() ({
        %run_scoped3A = tpu.sem_alloc : memref<!tpu.dma_semaphore, #tpu.memory_space<semaphore_mem>>
        %dma_start3A = tpu.memref_slice %arg14[%scan3A_31, %mul3A_18] : memref<16x10240xf32, #tpu.memory_space<vmem_shared>> -> memref<1x640xf32, #tpu.memory_space<vmem_shared>>
        %dma_start3A_44 = tpu.memref_squeeze %dma_start3A : memref<1x640xf32, #tpu.memory_space<vmem_shared>> -> memref<640xf32, #tpu.memory_space<vmem_shared>>
        %dma_start3A_45 = tpu.memref_slice %arg14[%scan3A_31, %mul3A_18] : memref<16x10240xf32, #tpu.memory_space<vmem_shared>> -> memref<1x640xf32, #tpu.memory_space<vmem_shared>>
        %dma_start3A_46 = tpu.memref_squeeze %dma_start3A_45 : memref<1x640xf32, #tpu.memory_space<vmem_shared>> -> memref<640xf32, #tpu.memory_space<vmem_shared>>
        tpu.enqueue_dma source(%dma_start3A_46 : memref<640xf32, #tpu.memory_space<vmem_shared>>) target(%arg10 : memref<640xf32, #tpu.memory_space<vmem>>) target_semaphore(%run_scoped3A : memref<!tpu.dma_semaphore, #tpu.memory_space<semaphore_mem>>)
        %dma_wait3A = tpu.memref_slice %arg14[%scan3A_31, %mul3A_18] : memref<16x10240xf32, #tpu.memory_space<vmem_shared>> -> memref<1x640xf32, #tpu.memory_space<vmem_shared>>
        %dma_wait3A_47 = tpu.memref_squeeze %dma_wait3A : memref<1x640xf32, #tpu.memory_space<vmem_shared>> -> memref<640xf32, #tpu.memory_space<vmem_shared>>
        %dma_wait3A_48 = tpu.memref_slice %arg14[%scan3A_31, %mul3A_18] : memref<16x10240xf32, #tpu.memory_space<vmem_shared>> -> memref<1x640xf32, #tpu.memory_space<vmem_shared>>
        %dma_wait3A_49 = tpu.memref_squeeze %dma_wait3A_48 : memref<1x640xf32, #tpu.memory_space<vmem_shared>> -> memref<640xf32, #tpu.memory_space<vmem_shared>>
        tpu.wait_dma2 semaphore(%run_scoped3A : memref<!tpu.dma_semaphore, #tpu.memory_space<semaphore_mem>>) src(%dma_wait3A_49 : memref<640xf32, #tpu.memory_space<vmem_shared>>) dst(%arg10 : memref<640xf32, #tpu.memory_space<vmem>>)
        tpu.yield
      }) : () -> ()
      %scan3A_38 = arith.constant 0 : i32
      %scan3A_39 = arith.constant 0 : i32
      %scan3A_40 = arith.constant 10 : i32
      %scan3A_41 = arith.addi %scan3A_39, %scan3A_40 : i32
      %scan3A_42 = arith.constant 1 : i32
      scf.for %scan3A_44 = %scan3A_39 to %scan3A_41 step %scan3A_42  : i32 {
        %mul3A_45 = arith.constant 4 : i32
        %mul3A_46 = arith.muli %scan3A_44, %mul3A_45 : i32
        %add3A_47 = arith.constant 0 : i32
        %add3A_48 = arith.addi %mul3A_46, %add3A_47 : i32
        %mul3A_49 = arith.constant 16 : i32
        %mul3A_50 = arith.muli %add3A_48, %mul3A_49 : i32
        %get3A = arith.index_cast %mul3A_50 : i32 to index
        %get3A_51 = tpu.vector_load %arg12[%get3A] {strides = array<i32>} : memref<640xf32, #tpu.memory_space<vmem>>, vector<16xf32>,
        %get3A_52 = arith.index_cast %mul3A_50 : i32 to index
        %get3A_53 = tpu.vector_load %arg10[%get3A_52] {strides = array<i32>} : memref<640xf32, #tpu.memory_space<vmem>>, vector<16xf32>,
        %add3A_54 = arith.addf %get3A_51, %get3A_53 : vector<16xf32>
        %swap3A = arith.index_cast %mul3A_50 : i32 to index
        %swap3A_55 = tpu.vector_load %arg12[%swap3A] {strides = array<i32>} : memref<640xf32, #tpu.memory_space<vmem>>, vector<16xf32>,
        tpu.vector_store %arg12[%swap3A], %add3A_54 {strides = array<i32>} : memref<640xf32, #tpu.memory_space<vmem>>, vector<16xf32>,
        %mul3A_56 = arith.constant 4 : i32
        %mul3A_57 = arith.muli %scan3A_44, %mul3A_56 : i32
        %add3A_58 = arith.constant 1 : i32
        %add3A_59 = arith.addi %mul3A_57, %add3A_58 : i32
        %mul3A_60 = arith.constant 16 : i32
        %mul3A_61 = arith.muli %add3A_59, %mul3A_60 : i32
        %get3A_62 = arith.index_cast %mul3A_61 : i32 to index
        %get3A_63 = tpu.vector_load %arg12[%get3A_62] {strides = array<i32>} : memref<640xf32, #tpu.memory_space<vmem>>, vector<16xf32>,
        %get3A_64 = arith.index_cast %mul3A_61 : i32 to index
        %get3A_65 = tpu.vector_load %arg10[%get3A_64] {strides = array<i32>} : memref<640xf32, #tpu.memory_space<vmem>>, vector<16xf32>,
        %add3A_66 = arith.addf %get3A_63, %get3A_65 : vector<16xf32>
        %swap3A_67 = arith.index_cast %mul3A_61 : i32 to index
        %swap3A_68 = tpu.vector_load %arg12[%swap3A_67] {strides = array<i32>} : memref<640xf32, #tpu.memory_space<vmem>>, vector<16xf32>,
        tpu.vector_store %arg12[%swap3A_67], %add3A_66 {strides = array<i32>} : memref<640xf32, #tpu.memory_space<vmem>>, vector<16xf32>,
        %mul3A_69 = arith.constant 4 : i32
        %mul3A_70 = arith.muli %scan3A_44, %mul3A_69 : i32
        %add3A_71 = arith.constant 2 : i32
        %add3A_72 = arith.addi %mul3A_70, %add3A_71 : i32
        %mul3A_73 = arith.constant 16 : i32
        %mul3A_74 = arith.muli %add3A_72, %mul3A_73 : i32
        %get3A_75 = arith.index_cast %mul3A_74 : i32 to index
        %get3A_76 = tpu.vector_load %arg12[%get3A_75] {strides = array<i32>} : memref<640xf32, #tpu.memory_space<vmem>>, vector<16xf32>,
        %get3A_77 = arith.index_cast %mul3A_74 : i32 to index
        %get3A_78 = tpu.vector_load %arg10[%get3A_77] {strides = array<i32>} : memref<640xf32, #tpu.memory_space<vmem>>, vector<16xf32>,
        %add3A_79 = arith.addf %get3A_76, %get3A_78 : vector<16xf32>
        %swap3A_80 = arith.index_cast %mul3A_74 : i32 to index
        %swap3A_81 = tpu.vector_load %arg12[%swap3A_80] {strides = array<i32>} : memref<640xf32, #tpu.memory_space<vmem>>, vector<16xf32>,
        tpu.vector_store %arg12[%swap3A_80], %add3A_79 {strides = array<i32>} : memref<640xf32, #tpu.memory_space<vmem>>, vector<16xf32>,
        %mul3A_82 = arith.constant 4 : i32
        %mul3A_83 = arith.muli %scan3A_44, %mul3A_82 : i32
        %add3A_84 = arith.constant 3 : i32
        %add3A_85 = arith.addi %mul3A_83, %add3A_84 : i32
        %mul3A_86 = arith.constant 16 : i32
        %mul3A_87 = arith.muli %add3A_85, %mul3A_86 : i32
        %get3A_88 = arith.index_cast %mul3A_87 : i32 to index
        %get3A_89 = tpu.vector_load %arg12[%get3A_88] {strides = array<i32>} : memref<640xf32, #tpu.memory_space<vmem>>, vector<16xf32>,
        %get3A_90 = arith.index_cast %mul3A_87 : i32 to index
        %get3A_91 = tpu.vector_load %arg10[%get3A_90] {strides = array<i32>} : memref<640xf32, #tpu.memory_space<vmem>>, vector<16xf32>,
        %add3A_92 = arith.addf %get3A_89, %get3A_91 : vector<16xf32>
        %swap3A_93 = arith.index_cast %mul3A_87 : i32 to index
        %swap3A_94 = tpu.vector_load %arg12[%swap3A_93] {strides = array<i32>} : memref<640xf32, #tpu.memory_space<vmem>>, vector<16xf32>,
        tpu.vector_store %arg12[%swap3A_93], %add3A_92 {strides = array<i32>} : memref<640xf32, #tpu.memory_space<vmem>>, vector<16xf32>,
      }
      %scan3A_43 = arith.constant 10 : i32
    }
    %scan3A_30 = arith.constant 16 : i32
    "tpu.region"() ({
      %run_scoped3A = tpu.sem_alloc : memref<!tpu.dma_semaphore, #tpu.memory_space<semaphore_mem>>
      %dma_start3A = tpu.memref_slice %arg4[%arg0, %mul3A_18] : memref<2x10240xf32, #tpu.memory_space<hbm>> -> memref<1x640xf32, #tpu.memory_space<hbm>>
      %dma_start3A_31 = tpu.memref_squeeze %dma_start3A : memref<1x640xf32, #tpu.memory_space<hbm>> -> memref<640xf32, #tpu.memory_space<hbm>>
      %dma_start3A_32 = tpu.memref_slice %arg4[%arg0, %mul3A_18] : memref<2x10240xf32, #tpu.memory_space<hbm>> -> memref<1x640xf32, #tpu.memory_space<hbm>>
      %dma_start3A_33 = tpu.memref_squeeze %dma_start3A_32 : memref<1x640xf32, #tpu.memory_space<hbm>> -> memref<640xf32, #tpu.memory_space<hbm>>
      tpu.enqueue_dma source(%arg11 : memref<640xf32, #tpu.memory_space<vmem>>) target(%dma_start3A_33 : memref<640xf32, #tpu.memory_space<hbm>>) target_semaphore(%run_scoped3A : memref<!tpu.dma_semaphore, #tpu.memory_space<semaphore_mem>>)
      %dma_wait3A = tpu.memref_slice %arg4[%arg0, %mul3A_18] : memref<2x10240xf32, #tpu.memory_space<hbm>> -> memref<1x640xf32, #tpu.memory_space<hbm>>
      %dma_wait3A_34 = tpu.memref_squeeze %dma_wait3A : memref<1x640xf32, #tpu.memory_space<hbm>> -> memref<640xf32, #tpu.memory_space<hbm>>
      %dma_wait3A_35 = tpu.memref_slice %arg4[%arg0, %mul3A_18] : memref<2x10240xf32, #tpu.memory_space<hbm>> -> memref<1x640xf32, #tpu.memory_space<hbm>>
      %dma_wait3A_36 = tpu.memref_squeeze %dma_wait3A_35 : memref<1x640xf32, #tpu.memory_space<hbm>> -> memref<640xf32, #tpu.memory_space<hbm>>
      tpu.wait_dma2 semaphore(%run_scoped3A : memref<!tpu.dma_semaphore, #tpu.memory_space<semaphore_mem>>) src(%arg11 : memref<640xf32, #tpu.memory_space<vmem>>) dst(%dma_wait3A_36 : memref<640xf32, #tpu.memory_space<hbm>>)
      tpu.yield
    }) : () -> ()
    "tpu.region"() ({
      %run_scoped3A = tpu.sem_alloc : memref<!tpu.dma_semaphore, #tpu.memory_space<semaphore_mem>>
      %dma_start3A = tpu.memref_slice %arg5[%arg0, %mul3A_18] : memref<2x10240xf32, #tpu.memory_space<hbm>> -> memref<1x640xf32, #tpu.memory_space<hbm>>
      %dma_start3A_31 = tpu.memref_squeeze %dma_start3A : memref<1x640xf32, #tpu.memory_space<hbm>> -> memref<640xf32, #tpu.memory_space<hbm>>
      %dma_start3A_32 = tpu.memref_slice %arg5[%arg0, %mul3A_18] : memref<2x10240xf32, #tpu.memory_space<hbm>> -> memref<1x640xf32, #tpu.memory_space<hbm>>
      %dma_start3A_33 = tpu.memref_squeeze %dma_start3A_32 : memref<1x640xf32, #tpu.memory_space<hbm>> -> memref<640xf32, #tpu.memory_space<hbm>>
      tpu.enqueue_dma source(%arg12 : memref<640xf32, #tpu.memory_space<vmem>>) target(%dma_start3A_33 : memref<640xf32, #tpu.memory_space<hbm>>) target_semaphore(%run_scoped3A : memref<!tpu.dma_semaphore, #tpu.memory_space<semaphore_mem>>)
      %dma_wait3A = tpu.memref_slice %arg5[%arg0, %mul3A_18] : memref<2x10240xf32, #tpu.memory_space<hbm>> -> memref<1x640xf32, #tpu.memory_space<hbm>>
      %dma_wait3A_34 = tpu.memref_squeeze %dma_wait3A : memref<1x640xf32, #tpu.memory_space<hbm>> -> memref<640xf32, #tpu.memory_space<hbm>>
      %dma_wait3A_35 = tpu.memref_slice %arg5[%arg0, %mul3A_18] : memref<2x10240xf32, #tpu.memory_space<hbm>> -> memref<1x640xf32, #tpu.memory_space<hbm>>
      %dma_wait3A_36 = tpu.memref_squeeze %dma_wait3A_35 : memref<1x640xf32, #tpu.memory_space<hbm>> -> memref<640xf32, #tpu.memory_space<hbm>>
      tpu.wait_dma2 semaphore(%run_scoped3A : memref<!tpu.dma_semaphore, #tpu.memory_space<semaphore_mem>>) src(%arg12 : memref<640xf32, #tpu.memory_space<vmem>>) dst(%dma_wait3A_36 : memref<640xf32, #tpu.memory_space<hbm>>)
      tpu.yield
    }) : () -> ()
    return
  }
}

module attributes {stable_mosaic.version = 14 : i64} {
  func.func @_matvec_body(%arg0: i32, %arg1: memref<12800x128xf32, #tpu.memory_space<vmem>>, %arg2: memref<1x128xf32, #tpu.memory_space<vmem>>, %arg3: memref<1x128xf32, #tpu.memory_space<vmem>>, %arg4: memref<1x1xf32, #tpu.memory_space<vmem>>, %arg5: memref<1x100x128xf32, #tpu.memory_space<vmem>>, %arg6: memref<1x100x128xf32, #tpu.memory_space<vmem>>) attributes {dimension_semantics = [#tpu.dimension_semantics<arbitrary>], iteration_bounds = array<i64: 25>, scalar_prefetch = 0 : i64, scratch_operands = 0 : i64, tpu.core_type = #tpu.core_type<tc>, window_params = [{transform_indices = @transform_0, window_bounds = array<i64: 12800, 128>}, {pipeline_mode = #tpu.pipeline_mode<synchronous>, transform_indices = @transform_1, window_bounds = array<i64: 1, 128>}, {pipeline_mode = #tpu.pipeline_mode<synchronous>, transform_indices = @transform_2, window_bounds = array<i64: 1, 128>}, {pipeline_mode = #tpu.pipeline_mode<synchronous>, transform_indices = @transform_3, window_bounds = array<i64: 1, 1>}, {transform_indices = @transform_4, window_bounds = array<i64: 1, 100, 128>}, {transform_indices = @transform_5, window_bounds = array<i64: 1, 100, 128>}]} {
    %get3A = arith.constant 0 : index
    %get3A_0 = arith.constant 0 : index
    %get3A_1 = vector.load %arg1[%get3A, %get3A_0] : memref<12800x128xf32, #tpu.memory_space<vmem>>, vector<12800x128xf32>
    %get3A_2 = arith.constant 0 : index
    %get3A_3 = arith.constant 0 : index
    %get3A_4 = vector.load %arg2[%get3A_2, %get3A_3] : memref<1x128xf32, #tpu.memory_space<vmem>>, vector<1x128xf32>
    %mul3A = vector.broadcast %get3A_4 : vector<1x128xf32> to vector<12800x128xf32>
    %mul3A_5 = arith.mulf %get3A_1, %mul3A : vector<12800x128xf32>
    %reduce_sum3A = arith.constant dense<0.000000e+00> : vector<12800xf32>
    %reduce_sum3A_6 = vector.multi_reduction <add>, %mul3A_5, %reduce_sum3A [1] : vector<12800x128xf32> to vector<12800xf32>
    %get3A_7 = arith.constant 0 : index
    %get3A_8 = arith.constant 0 : index
    %get3A_9 = vector.load %arg4[%get3A_7, %get3A_8] : memref<1x1xf32, #tpu.memory_space<vmem>>, vector<1x1xf32>
    %get3A_10 = vector.extract %get3A_9[0, 0] : f32 from vector<1x1xf32>
    %add3A = vector.broadcast %get3A_10 : f32 to vector<12800xf32>
    %add3A_11 = arith.addf %reduce_sum3A_6, %add3A : vector<12800xf32>
    %get3A_12 = arith.constant 0 : index
    %get3A_13 = arith.constant 0 : index
    %get3A_14 = vector.load %arg3[%get3A_12, %get3A_13] : memref<1x128xf32, #tpu.memory_space<vmem>>, vector<1x128xf32>
    %mul3A_15 = vector.broadcast %get3A_14 : vector<1x128xf32> to vector<12800x128xf32>
    %mul3A_16 = arith.mulf %get3A_1, %mul3A_15 : vector<12800x128xf32>
    %reduce_sum3A_17 = arith.constant dense<0.000000e+00> : vector<12800xf32>
    %reduce_sum3A_18 = vector.multi_reduction <add>, %mul3A_16, %reduce_sum3A_17 [1] : vector<12800x128xf32> to vector<12800xf32>
    %reshape3A = vector.shape_cast %add3A_11 : vector<12800xf32> to vector<1x100x128xf32>
    %max3A = arith.constant 0.000000e+00 : f32
    %max3A_19 = vector.broadcast %max3A : f32 to vector<1x100x128xf32>
    %max3A_20 = arith.maximumf %reshape3A, %max3A_19 : vector<1x100x128xf32>
    %abs3A = math.absf %reshape3A : vector<1x100x128xf32>
    %neg3A = arith.constant 0.000000e+00 : f32
    %neg3A_21 = vector.broadcast %neg3A : f32 to vector<1x100x128xf32>
    %neg3A_22 = arith.subf %neg3A_21, %abs3A : vector<1x100x128xf32>
    %exp3A = math.exp %neg3A_22 : vector<1x100x128xf32>
    %add3A_23 = arith.constant 1.000000e+00 : f32
    %add3A_24 = vector.broadcast %add3A_23 : f32 to vector<1x100x128xf32>
    %add3A_25 = arith.addf %add3A_24, %exp3A : vector<1x100x128xf32>
    %log3A = math.log %add3A_25 : vector<1x100x128xf32>
    %add3A_26 = arith.addf %max3A_20, %log3A : vector<1x100x128xf32>
    %add3A_27 = arith.constant 9.99999974E-5 : f32
    %add3A_28 = vector.broadcast %add3A_27 : f32 to vector<1x100x128xf32>
    %add3A_29 = arith.addf %add3A_26, %add3A_28 : vector<1x100x128xf32>
    %swap3A = arith.constant 0 : index
    %swap3A_30 = arith.constant 0 : index
    %swap3A_31 = arith.constant 0 : index
    %swap3A_32 = vector.load %arg5[%swap3A, %swap3A_30, %swap3A_31] : memref<1x100x128xf32, #tpu.memory_space<vmem>>, vector<1x100x128xf32>
    tpu.vector_store %arg5[%swap3A, %swap3A_30, %swap3A_31], %add3A_29 {strides = array<i32>} : memref<1x100x128xf32, #tpu.memory_space<vmem>>, vector<1x100x128xf32>,
    %reshape3A_33 = vector.shape_cast %reduce_sum3A_18 : vector<12800xf32> to vector<1x100x128xf32>
    %swap3A_34 = arith.constant 0 : index
    %swap3A_35 = arith.constant 0 : index
    %swap3A_36 = arith.constant 0 : index
    %swap3A_37 = vector.load %arg6[%swap3A_34, %swap3A_35, %swap3A_36] : memref<1x100x128xf32, #tpu.memory_space<vmem>>, vector<1x100x128xf32>
    tpu.vector_store %arg6[%swap3A_34, %swap3A_35, %swap3A_36], %reshape3A_33 {strides = array<i32>} : memref<1x100x128xf32, #tpu.memory_space<vmem>>, vector<1x100x128xf32>,
    return
  }
  func.func @transform_0(%arg0: i32) -> (i32, i32) {
    %c0_i32 = arith.constant 0 : i32
    %c0_i32_0 = arith.constant 0 : i32
    return %arg0, %c0_i32 : i32, i32
  }
  func.func @transform_1(%arg0: i32) -> (i32, i32) {
    %c0_i32 = arith.constant 0 : i32
    %c0_i32_0 = arith.constant 0 : i32
    %c0_i32_1 = arith.constant 0 : i32
    return %c0_i32, %c0_i32_0 : i32, i32
  }
  func.func @transform_2(%arg0: i32) -> (i32, i32) {
    %c0_i32 = arith.constant 0 : i32
    %c0_i32_0 = arith.constant 0 : i32
    %c0_i32_1 = arith.constant 0 : i32
    return %c0_i32, %c0_i32_0 : i32, i32
  }
  func.func @transform_3(%arg0: i32) -> (i32, i32) {
    %c0_i32 = arith.constant 0 : i32
    %c0_i32_0 = arith.constant 0 : i32
    %c0_i32_1 = arith.constant 0 : i32
    return %c0_i32, %c0_i32_0 : i32, i32
  }
  func.func @transform_4(%arg0: i32) -> (i32, i32, i32) {
    %c0_i32 = arith.constant 0 : i32
    %c0_i32_0 = arith.constant 0 : i32
    %c0_i32_1 = arith.constant 0 : i32
    return %arg0, %c0_i32, %c0_i32_0 : i32, i32, i32
  }
  func.func @transform_5(%arg0: i32) -> (i32, i32, i32) {
    %c0_i32 = arith.constant 0 : i32
    %c0_i32_0 = arith.constant 0 : i32
    %c0_i32_1 = arith.constant 0 : i32
    return %arg0, %c0_i32, %c0_i32_0 : i32, i32, i32
  }
}

</mosaic_0001>

<sc_bundles>
// kernel: kernel.5.cloned.1.call-start
scs
__scs_entry_jumppad:
0x0: {  	(pc) =	sbr.rel $0x88, $3  }
0x1: {  	(tag) =	ssettag $0x0;
	lr =	simm.s32 $0x1  }
0x2: {  	[smem:$0x3F9B] =	sst lr;
	_ =	strace $0xD0000000  }
0x3: {  	_ = 	snop  }
0x4: {  	_ = 	snop  }
0x5: {  	_ = 	snop  }
0x6: {  	_ = 	snop  }
0x7: {  	_ = 	snop  }
__scs_overlays_trampoline_lowered:
0x8: {  	[smem:$0x3FAA] =	sst s0  }
0x9: {  	[smem:$0x3FAB] =	sst s1  }
0xa: {  	[smem:$0x3FAC] =	sst s2  }
0xb: {  	[smem:$0x3FAD] =	sst s3  }
0xc: {  	[smem:$0x3FAE] =	sst s4  }
0xd: {  	[smem:$0x3FAF] =	sst s5  }
0xe: {  	[smem:$0x3FB0] =	sst s6  }
0xf: {  	[smem:$0x3FB1] =	sst s7  }
0x10: {  	[smem:$0x3FB2] =	sst s8  }
0x11: {  	[smem:$0x3FB3] =	sst s9;
	s0 =	simm.s32 @!p0 $0x0  }
0x12: {  	s1 =	sld [smem:$0x3F99];
	s0 =	simm.s32 @p0 $0x1  }
0x13: {  	[smem:$0x3FB4] =	sst s0;
	s0 =	simm.s32 @!p1 $0x0  }
0x14: {  	s2 =	sld [smem:$0x3F98];
	s0 =	simm.s32 @p1 $0x1  }
0x15: {  	[smem:$0x3FB5] =	sst s0;
	s0 =	simm.s32 @!p2 $0x0  }
0x16: {  	s3 =	sld [smem:$0x3FDB];
	s0 =	simm.s32 @p2 $0x1  }
0x17: {  	s4 =	simm.s32 $0x1BF5;
	[smem:$0x3FB7] =	sst s0  }
0x18: {  	s0 =	sld [smem:$0x3F9A];
	_ =	swait.ge [sflag:s4], $0x0  }
0x19: {  	s7 =	sld [smem:$0x3F9B]  }
0x1a: {  	s8 =	sadd.s32 $0xFFFFE003, lr  }
0x1b: {  	s9 =	sadd.s32 $0xFFFFFEF7, lr;
	s5 =	simm.s32 $0xFFFFFFFF;
	p2 =	slt.u32 s8, $0xFFFFF086  }
0x1c: {  	p1 =	slt.u32 s9, $0xF7A;
	s5 =	simm.s32 @!p2 $0x0  }
0x1d: {  	s5 =	simm.s32 @p1 $0x1;
	p0 =	seq.s32 s7, s2  }
0x1e: {  	s7 =	smul.u32 @!p0 $0xF7A, s2;
	p2 =	seq.s32 @!p0 s5, $0x0  }
0x1f: {  	s9 =	smul.u32 $0xF7A, s1;
	s8 =	simm.s32 @!p0 $0x1BF5;
	p2 =	por !p2, p0  }
0x20: {  	[sflag:s8] =	ssyncset.s32 @!p0 $0xFFFFF086;
	s6 =	sadd.s32 @!p0 s3, s7;
	s7 =	simm.s32 @!p0 $0x108  }
0x21: {  	s3 =	sadd.s32 s3, s9;
	s6 =	sadd.s32 @!p0 $0x88, s6;
	s7 =	simm.s32 @p2 $0x1082  }
0x22: {  	[simem:s7], [sflag:s8] =	dma.local @!p0 [hbm:s6], $0xF7A  }
0x23: {  	s9 =	sor.u32 $0xD0000000, s2;
	s6 =	simm.s32 $0x108;
	_ =	swait.ge @!p0 [sflag:s8], $0x0  }
0x24: {  	s3 =	sadd.s32 $0x88, s3;
	s6 =	simm.s32 @!p1 $0x1082;
	[sflag:s4] =	ssyncset.s32 $0xFFFFF086  }
0x25: {  	[simem:s6], [sflag:s4] =	dma.local [hbm:s3], $0xF7A  }
0x26: {  	[smem:$0x3F9B] =	sst s1;
	(tag) =	ssettag s2;
	_ =	strace s9  }
0x27: {  	s1 =	sld [smem:$0x3FAB]  }
0x28: {  	s2 =	sld [smem:$0x3FAC]  }
0x29: {  	s4 =	sld [smem:$0x3FAE]  }
0x2a: {  	p0 =	seq.s32 s5, $0x0;
	s5 =	sld [smem:$0x3FAF]  }
0x2b: {  	s6 =	sld [smem:$0x3FB0]  }
0x2c: {  	s7 =	sld [smem:$0x3FB1]  }
0x2d: {  	s3 =	simm.s32 $0x108;
	s8 =	sld [smem:$0x3FB2]  }
0x2e: {  	s3 =	simm.s32 @!p0 $0x1082;
	s9 =	sld [smem:$0x3FB3]  }
0x2f: {  	lr =	sadd.s32 s0, s3;
	s0 =	sld [smem:$0x3FAA]  }
0x30: {  	s3 =	sld [smem:$0x3FAD]  }
0x31: {  	[smem:$0x3FB6] =	sst s10  }
0x32: {  	s10 =	sld [smem:$0x3FB4];
	_ =	sdelay $0x3  }
0x33: {  	p0 =	seq.s32 s10, $0x1;
	s10 =	sld [smem:$0x3FB6];
	_ =	sdelay $0x3  }
0x34: {  	[smem:$0x3FB6] =	sst s10  }
0x35: {  	s10 =	sld [smem:$0x3FB5];
	_ =	sdelay $0x3  }
0x36: {  	p1 =	seq.s32 s10, $0x1;
	s10 =	sld [smem:$0x3FB6];
	_ =	sdelay $0x3  }
0x37: {  	[smem:$0x3FB6] =	sst s10  }
0x38: {  	s10 =	sld [smem:$0x3FB7]  }
0x39: {  	_ = 	snop;
	(pc) =	sbr.ind lr, $3  }
0x3a: {  	_ = 	snop  }
0x3b: {  	_ = 	snop  }
0x3c: {  	p2 =	seq.s32 s10, $0x1;
	s10 =	sld [smem:$0x3FB6]  }
0x3d: {  	_ =	shalt  }
0x3e: {  	_ =	shalt  }
0x3f: {  	_ =	shalt  }
0x40: {  	_ =	shalt  }
0x41: {  	_ =	shalt  }
0x42: {  	_ =	shalt  }
0x43: {  	_ =	shalt  }
0x44: {  	_ =	shalt  }
0x45: {  	_ =	shalt  }
0x46: {  	_ =	shalt  }
0x47: {  	_ =	shalt  }
0x48: {  	_ =	shalt  }
0x49: {  	_ =	shalt  }
0x4a: {  	_ =	shalt  }
0x4b: {  	_ =	shalt  }
0x4c: {  	_ =	shalt  }
0x4d: {  	_ =	shalt  }
0x4e: {  	_ =	shalt  }
0x4f: {  	_ =	shalt  }
0x50: {  	_ =	shalt  }
0x51: {  	_ =	shalt  }
0x52: {  	_ =	shalt  }
0x53: {  	_ =	shalt  }
0x54: {  	_ =	shalt  }
0x55: {  	_ =	shalt  }
0x56: {  	_ =	shalt  }
0x57: {  	_ =	shalt  }
0x58: {  	_ =	shalt  }
0x59: {  	_ =	shalt  }
0x5a: {  	_ =	shalt  }
0x5b: {  	_ =	shalt  }
0x5c: {  	_ =	shalt  }
0x5d: {  	_ =	shalt  }
0x5e: {  	_ =	shalt  }
0x5f: {  	_ =	shalt  }
0x60: {  	_ =	shalt  }
0x61: {  	_ =	shalt  }
0x62: {  	_ =	shalt  }
0x63: {  	_ =	shalt  }
0x64: {  	_ =	shalt  }
0x65: {  	_ =	shalt  }
0x66: {  	_ =	shalt  }
0x67: {  	_ =	shalt  }
0x68: {  	_ =	shalt  }
0x69: {  	_ =	shalt  }
0x6a: {  	_ =	shalt  }
0x6b: {  	_ =	shalt  }
0x6c: {  	_ =	shalt  }
0x6d: {  	_ =	shalt  }
0x6e: {  	_ =	shalt  }
0x6f: {  	_ =	shalt  }
0x70: {  	_ =	shalt  }
0x71: {  	_ =	shalt  }
0x72: {  	_ =	shalt  }
0x73: {  	_ =	shalt  }
0x74: {  	_ =	shalt  }
0x75: {  	_ =	shalt  }
0x76: {  	_ =	shalt  }
0x77: {  	_ =	shalt  }
0x78: {  	_ =	shalt  }
0x79: {  	_ =	shalt  }
0x7a: {  	_ =	shalt  }
0x7b: {  	_ =	shalt  }
0x7c: {  	_ =	shalt  }
0x7d: {  	_ =	shalt  }
0x7e: {  	_ =	shalt  }
0x7f: {  	_ =	shalt  }
0x80: {  	_ =	shalt  }
0x81: {  	_ =	shalt  }
0x82: {  	_ =	shalt  }
0x83: {  	_ =	shalt  }
0x84: {  	_ =	shalt  }
0x85: {  	_ =	shalt  }
0x86: {  	_ =	shalt  }
0x87: {  	_ =	shalt  }
.Lfunc_end0:
.L_simem_size_0:
called_computation_lowered:
.L_overlay_start_0:
0x88: {  	s2 =	sld [smem:$0x3FD9]  }
0x89: {  	s3 =	sld [smem:$0x3FFE];
	_ =	sdelay $0x1  }
0x8a: {  	s1 =	srdreg.scid  }
0x8b: {  	s0 =	sand.u32 $0x1, s1  }
0x8c: {  	s14 =	sshll.u32 s0, $0xA;
	s2 =	sadd.s32 s3, s2  }
0x8d: {  	s2 =	sadd.s32 s2, s14  }
0x8e: {  	[smem:$0x3FC2] =	sst s2  }
0x8f: {  	_ = 	snop  }
0x90: {  	s2 =	sld [smem:$0x3FD0];
	_ =	sdelay $0x2  }
0x91: {  	s15 =	simm.s32 $0xA;
	s4 =	simm.s32 $0x10  }
0x92: {  	[smem:s4], [sflag:s15] =	dma.local [hbm:s2], $0x1  }
0x93: {  	_ =	swait.eq [sflag:s15], $0x1  }
0x94: {  	[sflag:s15] =	ssyncset.done $0x0  }
0x95: {  	[sflag:s15] =	ssyncadd.s32 $0xFFFFFFFF  }
0x96: {  	s16 =	sld [smem:$0x11];
	(tm) =	ssettm $0x1  }
0x97: {  	s17 =	sld [smem:$0x3FFB];
	_ =	sdelay $0x3  }
0x98: {  	_ =	strace s17  }
0x99: {  	s3 =	sld [smem:$0x3FFC];
	_ =	sdelay $0x3  }
0x9a: {  	_ =	strace s3  }
0x9b: {  	s3 =	sld [smem:$0x3FFD];
	_ =	sdelay $0x3  }
0x9c: {  	_ =	strace s3  }
0x9d: {  	_ =	strace $0x8FFFFFFF  }
0x9e: {  	s18 =	sld [smem:$0x3FDB];
	_ =	sdelay $0x1  }
0x9f: {  	s19 =	simm.s32 $_scs_section_size  }
0xa0: {  	s5 =	simm.s32 $_size__tile_overlayer_lowered;
	s6 =	simm.s32 $_tile_overlayer_lowered  }
0xa1: {  	s22 =	simm.s32 $0x1BFF;
	s21 =	sshll.u32 s6, $0x1;
	s3 =	sadd.s32 s19, s18  }
0xa2: {  	s7 =	simm.s32 $0x0;
	s20 =	sshll.u32 s5, $0x1;
	s5 =	sadd.s32 s21, s3  }
0xa3: {  	[timem:s7], [sflag:s22] =	dma.local [hbm:s5], s20  }
0xa4: {  	_ =	swait.ge [sflag:s22], s20  }
0xa5: {  	s4 =	ssub.s32 $0x0, s20;
	[sflag:s22] =	ssyncset.done $0x0  }
0xa6: {  	[sflag:s22] =	ssyncadd.s32 s4;
	_ =	sdelay $0x1  }
0xa7: {  	s23 =	simm.s32 $0x1B8B  }
0xa8: {  	_ =	swait.ge [sflag:s23], $0x1  }
0xa9: {  	[sflag:s23] =	ssyncset.done $0x0  }
0xaa: {  	s25 =	simm.s32 $0x1B8E;
	s24 =	sld [smem:$0x3FFE];
	[sflag:s23] =	ssyncadd.s32 $0xFFFFFFFF  }
0xab: {  	s26 =	simm.s32 $execute0_lowered;
	[smem:$0x3FD2] =	sst s25  }
0xac: {  	s5 =	sshll.u32 s26, $0x1;
	_ =	strace $0x80000046;
	[dreg:$0x1] =	wrdreg $0xFFFFFFFF  }
0xad: {  	s28 =	simm.s32 $_size_execute0_lowered;
	s3 =	sadd.s32 s3, s5;
	[dreg:$0x0] =	wrdreg $0x0  }
0xae: {  	s5 =	sshll.u32 s28, $0x1;
	[dreg:$0x2] =	wrdreg s3  }
0xaf: {  	[dreg:$0x3] =	wrdreg s5  }
0xb0: {  	[dreg:$0x4] =	wrdreg $0xC0  }
0xb1: {  	_ =	task [dreg:s7], $0x5FFFF  }
0xb2: {  	[dreg:$0x1] =	wrdreg $0xFFFFFFFF  }
0xb3: {  	[dreg:$0x0] =	wrdreg $0x60  }
0xb4: {  	[dreg:$0x2] =	wrdreg s24  }
0xb5: {  	[dreg:$0x3] =	wrdreg s16  }
0xb6: {  	[dreg:$0x4] =	wrdreg $0xA6800  }
0xb7: {  	[dreg:$0x5] =	wrdreg $0xCE800  }
0xb8: {  	[dreg:$0x6] =	wrdreg $0x9  }
0xb9: {  	_ =	task.clear_ibuf [dreg:s7], $0x7FFFF;
	_ =	strace $0x90000046  }
0xba: {  	s29 =	simm.s32 $0x9;
	_ =	strace $0x80000048  }
0xbb: {  	_ =	swait.ge [sflag:s29], $0x1  }
0xbc: {  	[sflag:s29] =	ssyncadd.s32 $0xFFFFFFFF  }
0xbd: {  	_ =	strace $0x90000048  }
0xbe: {  	_ =	sfence  }
0xbf: {  	s30 =	sld [smem:$0x0];
	_ =	sdelay $0x2  }
0xc0: {  	s31 =	sshll.u32 s1, $0xD;
	s1 =	sshrl.u32 s1, $0x2  }
0xc1: {  	s3 =	sand.u32 $0x4000, s31;
	s1 =	sadd.s32 s1, s30  }
0xc2: {  	s0 =	sor.u32 s3, s0;
	s1 =	sshll.u32 s1, $0x11  }
0xc3: {  	s0 =	sor.u32 s1, s0  }
0xc4: {  	s0 =	sadd.s32 $0x8F2B, s0  }
0xc5: {  	[sflag:s0] =	ssyncadd.remote.s32 $0x1  }
0xc6: {  	_ =	sfence.sel $0xFFFF  }
0xc7: {  	[dreg:$0x0] =	wrdreg $0xFFFFFFFF;
	(pc) =	sbr.abs _section_cstart, $3  }
0xc8: {  	[dreg:$0x1] =	wrdreg $0xFFFFFFFF  }
0xc9: {  	_ =	task.clear_ibuf [dreg:s7], $0x2FFFF;
	_ =	strace $0x9FFFFFFF  }
0xca: {  	(tm) =	ssettm $0x7FFFFFFF  }
0xcb: {  	_ =	shalt  }
tec
execute0_lowered:
.L_overlay_start_1:
0x0: {  	(tag) =	ssettag $0x1  }
0x1: {  	s5 =	rddreg [dreg:$0x0]  }
0x2: {  	s6 =	rddreg [dreg:$0x1]  }
0x3: {  	s0 =	srdreg.scid;
	s2 =	rddreg [dreg:$0x2]  }
0x4: {  	s3 =	rddreg [dreg:$0x3];
	s4 =	simm.s32 $0x0;
	s15 =	simm.s32 $0x4F00  }
0x5: {  	s16 =	simm.s32 $0x7700;
	s17 =	simm.s32 $0x80;
	s18 =	simm.s32 $0x400  }
0x6: {  	s19 =	simm.s32 $0x9F00;
	s20 =	simm.s32 $0x100;
	s21 =	simm.s32 $0xA180  }
0x7: {  	s22 =	simm.s32 $0xA400;
	s7 =	sand.u32 $0x1, s0;
	s0 =	stileid.u32  }
0x8: {  	[smem:$0x7FF] =	sst s4;
	s1 =	sshll.u32 s7, $0x4;
	s9 =	smul.u32 $0x500, s0  }
0x9: {  	s10 =	sshll.u32 s7, $0x7;
	s30 =	sshrl.u32 s0, $0x3;
	s7 =	ssub.s32 $0x2, s7  }
0xa: {  	s12 =	sshll.u32 s0, $0x7;
	s8 =	sor.u32 s0, s1;
	s1 =	rddreg [dreg:$0x4]  }
0xb: {  	_ =	strace $0x80000047;
	s13 =	sshrl.u32 s7, $0x1;
	s8 =	smul.u32 $0x4E2, s8  }
0xc: {  	s12 =	sand.u32 $0x380, s12;
	s9 =	sor.u32 s10, s9;
	s10 =	smul.u32 $0x14000, s30  }
0xd: {  	s13 =	ssub.s32 s7, s13;
	s9 =	sshrl.u32 s9, $0x3;
	s11 =	sadd.s32 s8, s5  }
0xe: {  	s14 =	sadd.s32 s9, s5;
	s31 =	sor.u32 s12, s10;
	s6 =	sadd.s32 s6, s8  }
0xf: {  	s9 =	smul.u32 $0x1400, s0;
	s12 =	smax.u32 s13, $0x1;
	s13 =	simm.s32 $0x1  }
0x10: {  	s5 =	sadd.s32 $0xE00, s11;
	s7 =	sadd.s32 s31, s2;
	s8 =	sadd.s32 s31, s3  }
0x11: {  	v0 =	vimm.f32 $0.0e+00;
	v1 =	vimm.f32 $1.000000000e+00;
	s10 =	sadd.s32 $0xAC00, s14;
	s11 =	sadd.s32 $0xB600, s14;
	s14 =	simm.s32 $0x2780  }
.LBB2_1:
0x12: {  	s23 =	simm.s32 $0x0;
	s24 =	simm.s32 $0x100  }
.LBB2_2:
0x13: {  	p0 =	sne.s32 s24, $0x9F00;
	[tilespmem:s23+$0x7730] =	vst v0  }
0x14: {  	[tilespmem:s23+$0x4F00] =	vst v0  }
0x15: {  	[tilespmem:s23+$0x7700] =	vst v0  }
.Ltmp0:
0x16: {  	[tilespmem:s23+$0x4F10] =	vst v0;
	(pc) =	sbr.rel @p0 .LBB2_2-.Ltmp0, $4  }
0x17: {  	[tilespmem:s23+$0x7710] =	vst v0  }
0x18: {  	[tilespmem:s23+$0x4F20] =	vst v0  }
0x19: {  	[tilespmem:s23+$0x7720] =	vst v0  }
0x1a: {  	[tilespmem:s23+$0x4F30] =	vst v0;
	s23 =	sshra.s32 s24, $0x2;
	s24 =	sadd.s32 $0x100, s24  }
0x1b: {  	[tilespmem:s23+$0x7730] =	vst v0  }
0x1c: {  	[tilespmem:s23+$0x4F00] =	vst v0  }
0x1d: {  	[tilespmem:s23+$0x7700] =	vst v0  }
0x1e: {  	[tilespmem:s23+$0x4F10] =	vst v0  }
0x1f: {  	[tilespmem:s23+$0x7710] =	vst v0  }
0x20: {  	[tilespmem:s23+$0x4F20] =	vst v0  }
0x21: {  	[tilespmem:s23+$0x7720] =	vst v0  }
0x22: {  	[tilespmem:s23+$0x4F30] =	vst v0;
	s23 =	simm.s32 $0x0  }
0x23: {  	[tilespmem:s23], [sflag:$0x1] =	stream.linear.gather [hbm4b:s5+s23], $0x2710, $0x38;
	[tilespmem:$0xF680] =	vst v63  }
0x24: {  	_ =	swait.ge [sflag:s13], $0x2710  }
0x25: {  	[sflag:s13] =	ssyncset.done $0x0  }
0x26: {  	[sflag:s13] =	ssyncadd.s32 $0xFFFFD8F0  }
0x27: {  	[tilespmem:s14], [sflag:$0x1] =	stream.linear.gather [hbm4b:s6+s23], $0x2710, $0x38;
	[tilespmem:$0xF680] =	vst v63  }
0x28: {  	_ =	swait.ge [sflag:s13], $0x2710  }
0x29: {  	[sflag:s13] =	ssyncset.done $0x0  }
0x2a: {  	[sflag:s13] =	ssyncadd.s32 $0xFFFFD8F0  }
.LBB2_4:
0x2b: {  	s24 =	sshra.s32 s23, $0x2  }
0x2c: {  	v2 =	vld [tilespmem:s24+$0x0];
	_ =	sdelay $0x2  }
0x2d: {  	v3 =	vld [tilespmem:s24+$0x2780];
	_ =	sdelay $0x4  }
0x2e: {  	[tilespmem:v2+s15+$0x0] =	vst.idx.add.f32.msk $0xffff, v3  }
0x2f: {  	[tilespmem:v2+s16+$0x0] =	vst.idx.add.f32.msk $0xffff, v1  }
0x30: {  	v2 =	vld [tilespmem:s24+$0x10];
	_ =	sdelay $0x2  }
0x31: {  	v3 =	vld [tilespmem:s24+$0x2790];
	_ =	sdelay $0x4  }
0x32: {  	[tilespmem:v2+s15+$0x0] =	vst.idx.add.f32.msk $0xffff, v3  }
0x33: {  	[tilespmem:v2+s16+$0x0] =	vst.idx.add.f32.msk $0xffff, v1  }
0x34: {  	v2 =	vld [tilespmem:s24+$0x20];
	_ =	sdelay $0x2  }
0x35: {  	v3 =	vld [tilespmem:s24+$0x27A0];
	_ =	sdelay $0x4  }
0x36: {  	[tilespmem:v2+s15+$0x0] =	vst.idx.add.f32.msk $0xffff, v3  }
0x37: {  	[tilespmem:v2+s16+$0x0] =	vst.idx.add.f32.msk $0xffff, v1  }
0x38: {  	v2 =	vld [tilespmem:s24+$0x30];
	_ =	sdelay $0x2  }
0x39: {  	v3 =	vld [tilespmem:s24+$0x27B0];
	_ =	sdelay $0x4  }
0x3a: {  	[tilespmem:v2+s15+$0x0] =	vst.idx.add.f32.msk $0xffff, v3  }
0x3b: {  	[tilespmem:v2+s16+$0x0] =	vst.idx.add.f32.msk $0xffff, v1  }
0x3c: {  	v2 =	vld [tilespmem:s24+$0x40];
	_ =	sdelay $0x2  }
0x3d: {  	v3 =	vld [tilespmem:s24+$0x27C0]  }
0x3e: {  	p0 =	sne.s32 s23, $0x9B00  }
.Ltmp1:
0x3f: {  	_ = 	snop;
	(pc) =	sbr.rel @p0 .LBB2_4-.Ltmp1, $3  }
0x40: {  	_ =	sdelay $0x1  }
0x41: {  	[tilespmem:v2+s15+$0x0] =	vst.idx.add.f32.msk $0xffff, v3  }
0x42: {  	s23 =	sadd.s32 $0x140, s23;
	[tilespmem:v2+s16+$0x0] =	vst.idx.add.f32.msk $0xffff, v1  }
0x43: {  	[spmem:s7] =	stream.strided.scatter [tilespmem:s15], [sflag:$0x1], $0x2800, s18, s17, $0x38;
	[tilespmem:$0xF680] =	vst v63  }
0x44: {  	_ =	swait.ge [sflag:s13], $0x2800  }
0x45: {  	[sflag:s13] =	ssyncset.done $0x0  }
0x46: {  	[sflag:s13] =	ssyncadd.s32 $0xFFFFD800  }
0x47: {  	[spmem:s8] =	stream.strided.scatter [tilespmem:s16], [sflag:$0x1], $0x2800, s18, s17, $0x38;
	[tilespmem:$0xF680] =	vst v63  }
0x48: {  	_ =	swait.ge [sflag:s13], $0x2800  }
0x49: {  	[sflag:s13] =	ssyncset.done $0x0  }
0x4a: {  	[sflag:s13] =	ssyncadd.s32 $0xFFFFD800  }
0x4b: {  	[bflag:$0x0] =	sbarrier.arrive $0xFFFF  }
0x4c: {  	[tilespmem:$0xA180] =	vst v0  }
0x4d: {  	[tilespmem:$0xA400] =	vst v0  }
0x4e: {  	[tilespmem:$0xA190] =	vst v0  }
0x4f: {  	[tilespmem:$0xA410] =	vst v0  }
0x50: {  	[tilespmem:$0xA1A0] =	vst v0  }
0x51: {  	[tilespmem:$0xA420] =	vst v0  }
0x52: {  	[tilespmem:$0xA1B0] =	vst v0  }
0x53: {  	[tilespmem:$0xA430] =	vst v0  }
0x54: {  	[tilespmem:$0xA1C0] =	vst v0  }
0x55: {  	[tilespmem:$0xA440] =	vst v0  }
0x56: {  	[tilespmem:$0xA1D0] =	vst v0  }
0x57: {  	[tilespmem:$0xA450] =	vst v0  }
0x58: {  	[tilespmem:$0xA1E0] =	vst v0  }
0x59: {  	[tilespmem:$0xA460] =	vst v0  }
0x5a: {  	[tilespmem:$0xA1F0] =	vst v0  }
0x5b: {  	[tilespmem:$0xA470] =	vst v0  }
0x5c: {  	[tilespmem:$0xA200] =	vst v0  }
0x5d: {  	[tilespmem:$0xA480] =	vst v0  }
0x5e: {  	[tilespmem:$0xA210] =	vst v0  }
0x5f: {  	[tilespmem:$0xA490] =	vst v0  }
0x60: {  	[tilespmem:$0xA220] =	vst v0  }
0x61: {  	[tilespmem:$0xA4A0] =	vst v0  }
0x62: {  	[tilespmem:$0xA230] =	vst v0  }
0x63: {  	[tilespmem:$0xA4B0] =	vst v0  }
0x64: {  	[tilespmem:$0xA240] =	vst v0  }
0x65: {  	[tilespmem:$0xA4C0] =	vst v0  }
0x66: {  	[tilespmem:$0xA250] =	vst v0  }
0x67: {  	[tilespmem:$0xA4D0] =	vst v0  }
0x68: {  	[tilespmem:$0xA260] =	vst v0  }
0x69: {  	[tilespmem:$0xA4E0] =	vst v0  }
0x6a: {  	[tilespmem:$0xA270] =	vst v0  }
0x6b: {  	[tilespmem:$0xA4F0] =	vst v0  }
0x6c: {  	[tilespmem:$0xA280] =	vst v0  }
0x6d: {  	[tilespmem:$0xA500] =	vst v0  }
0x6e: {  	[tilespmem:$0xA290] =	vst v0  }
0x6f: {  	[tilespmem:$0xA510] =	vst v0  }
0x70: {  	[tilespmem:$0xA2A0] =	vst v0  }
0x71: {  	[tilespmem:$0xA520] =	vst v0  }
0x72: {  	[tilespmem:$0xA2B0] =	vst v0  }
0x73: {  	[tilespmem:$0xA530] =	vst v0  }
0x74: {  	[tilespmem:$0xA2C0] =	vst v0  }
0x75: {  	[tilespmem:$0xA540] =	vst v0  }
0x76: {  	[tilespmem:$0xA2D0] =	vst v0  }
0x77: {  	[tilespmem:$0xA550] =	vst v0  }
0x78: {  	[tilespmem:$0xA2E0] =	vst v0  }
0x79: {  	[tilespmem:$0xA560] =	vst v0  }
0x7a: {  	[tilespmem:$0xA2F0] =	vst v0  }
0x7b: {  	[tilespmem:$0xA570] =	vst v0  }
0x7c: {  	[tilespmem:$0xA300] =	vst v0  }
0x7d: {  	[tilespmem:$0xA580] =	vst v0  }
0x7e: {  	[tilespmem:$0xA310] =	vst v0  }
0x7f: {  	[tilespmem:$0xA590] =	vst v0  }
0x80: {  	[tilespmem:$0xA320] =	vst v0  }
0x81: {  	[tilespmem:$0xA5A0] =	vst v0  }
0x82: {  	[tilespmem:$0xA330] =	vst v0  }
0x83: {  	[tilespmem:$0xA5B0] =	vst v0  }
0x84: {  	[tilespmem:$0xA340] =	vst v0  }
0x85: {  	[tilespmem:$0xA5C0] =	vst v0  }
0x86: {  	[tilespmem:$0xA350] =	vst v0  }
0x87: {  	[tilespmem:$0xA5D0] =	vst v0  }
0x88: {  	[tilespmem:$0xA360] =	vst v0  }
0x89: {  	[tilespmem:$0xA5E0] =	vst v0  }
0x8a: {  	[tilespmem:$0xA370] =	vst v0  }
0x8b: {  	[tilespmem:$0xA5F0] =	vst v0  }
0x8c: {  	[tilespmem:$0xA380] =	vst v0  }
0x8d: {  	[tilespmem:$0xA600] =	vst v0  }
0x8e: {  	[tilespmem:$0xA390] =	vst v0  }
0x8f: {  	[tilespmem:$0xA610] =	vst v0  }
0x90: {  	[tilespmem:$0xA3A0] =	vst v0  }
0x91: {  	[tilespmem:$0xA620] =	vst v0  }
0x92: {  	[tilespmem:$0xA3B0] =	vst v0  }
0x93: {  	[tilespmem:$0xA630] =	vst v0  }
0x94: {  	[tilespmem:$0xA3C0] =	vst v0  }
0x95: {  	[tilespmem:$0xA640] =	vst v0  }
0x96: {  	[tilespmem:$0xA3D0] =	vst v0  }
0x97: {  	[tilespmem:$0xA650] =	vst v0  }
0x98: {  	[tilespmem:$0xA3E0] =	vst v0  }
0x99: {  	[tilespmem:$0xA660] =	vst v0  }
0x9a: {  	[tilespmem:$0xA3F0] =	vst v0  }
0x9b: {  	s23 =	simm.s32 $0x0;
	s24 =	simm.s32 $0x0;
	[tilespmem:$0xA670] =	vst v0  }
.LBB2_6:
0x9c: {  	s25 =	sshrl.u32 s24, $0x3  }
0x9d: {  	s25 =	smul.u32 $0x14000, s25;
	_ =	sdelay $0x1  }
0x9e: {  	s26 =	sand.u32 $0x380, s23;
	s25 =	sadd.s32 s9, s25  }
0x9f: {  	s25 =	sor.u32 s26, s25  }
0xa0: {  	s26 =	sadd.s32 s25, s2  }
0xa1: {  	[tilespmem:s19], [sflag:$0x1] =	stream.strided.gather [spmem:s26], $0x280, s18, s17, $0x38;
	[tilespmem:$0xF680] =	vst v63  }
0xa2: {  	_ =	swait.ge [sflag:s13], $0x280  }
0xa3: {  	[sflag:s13] =	ssyncset.done $0x0  }
0xa4: {  	[sflag:s13] =	ssyncadd.s32 $0xFFFFFD80  }
0xa5: {  	v2 =	vld [tilespmem:$0xA180]  }
0xa6: {  	v3 =	vld [tilespmem:$0x9F00]  }
0xa7: {  	v4 =	vld [tilespmem:$0xA190]  }
0xa8: {  	v5 =	vld [tilespmem:$0x9F10]  }
0xa9: {  	v6 =	vld [tilespmem:$0xA1A0]  }
0xaa: {  	v7 =	vld [tilespmem:$0x9F20]  }
0xab: {  	v8 =	vld [tilespmem:$0xA1B0]  }
0xac: {  	v9 =	vld [tilespmem:$0x9F30]  }
0xad: {  	v10 =	vld [tilespmem:$0xA1C0]  }
0xae: {  	v11 =	vld [tilespmem:$0x9F40]  }
0xaf: {  	v12 =	vld [tilespmem:$0xA1D0]  }
0xb0: {  	v13 =	vld [tilespmem:$0x9F50]  }
0xb1: {  	v14 =	vld [tilespmem:$0xA1E0]  }
0xb2: {  	v15 =	vld [tilespmem:$0x9F60]  }
0xb3: {  	v16 =	vld [tilespmem:$0xA1F0]  }
0xb4: {  	v17 =	vld [tilespmem:$0x9F70]  }
0xb5: {  	v18 =	vld [tilespmem:$0xA200]  }
0xb6: {  	v19 =	vld [tilespmem:$0x9F80]  }
0xb7: {  	v20 =	vld [tilespmem:$0xA210]  }
0xb8: {  	v21 =	vld [tilespmem:$0x9F90]  }
0xb9: {  	v22 =	vld [tilespmem:$0xA220]  }
0xba: {  	v23 =	vld [tilespmem:$0x9FA0]  }
0xbb: {  	v24 =	vld [tilespmem:$0xA230]  }
0xbc: {  	v25 =	vld [tilespmem:$0x9FB0]  }
0xbd: {  	v26 =	vld [tilespmem:$0xA240]  }
0xbe: {  	v27 =	vld [tilespmem:$0x9FC0]  }
0xbf: {  	v28 =	vld [tilespmem:$0xA250]  }
0xc0: {  	v29 =	vld [tilespmem:$0x9FD0]  }
0xc1: {  	v30 =	vld [tilespmem:$0xA260]  }
0xc2: {  	v31 =	vld [tilespmem:$0x9FE0]  }
0xc3: {  	v32 =	vld [tilespmem:$0xA270]  }
0xc4: {  	v33 =	vld [tilespmem:$0x9FF0]  }
0xc5: {  	v34 =	vld [tilespmem:$0xA280]  }
0xc6: {  	v35 =	vld [tilespmem:$0xA000]  }
0xc7: {  	v36 =	vld [tilespmem:$0xA290]  }
0xc8: {  	v37 =	vld [tilespmem:$0xA010]  }
0xc9: {  	v38 =	vld [tilespmem:$0xA2A0]  }
0xca: {  	v39 =	vld [tilespmem:$0xA020]  }
0xcb: {  	v40 =	vld [tilespmem:$0xA2B0]  }
0xcc: {  	v41 =	vld [tilespmem:$0xA030]  }
0xcd: {  	v42 =	vld [tilespmem:$0xA2C0]  }
0xce: {  	v43 =	vld [tilespmem:$0xA040]  }
0xcf: {  	v44 =	vld [tilespmem:$0xA2D0]  }
0xd0: {  	v45 =	vld [tilespmem:$0xA050]  }
0xd1: {  	v46 =	vld [tilespmem:$0xA2E0]  }
0xd2: {  	v48 =	vld [tilespmem:$0xA330];
	v2 =	vadd.f32 v3, v2  }
0xd3: {  	v49 =	vld [tilespmem:$0xA0B0];
	v4 =	vadd.f32 v5, v4  }
0xd4: {  	v51 =	vld [tilespmem:$0xA340];
	v63 =	vadd.f32 v9, v8;
	[tilespmem:$0xA180] =	vst v2  }
0xd5: {  	v52 =	vld [tilespmem:$0xA0C0];
	v2 =	vadd.f32 v7, v6;
	[tilespmem:$0xA190] =	vst v4  }
0xd6: {  	v54 =	vld [tilespmem:$0xA350];
	v13 =	vadd.f32 v13, v12;
	[tilespmem:$0xA1B0] =	vst v63  }
0xd7: {  	v55 =	vld [tilespmem:$0xA0D0];
	[tilespmem:$0xA1A0] =	vst v2;
	v2 =	vadd.f32 v11, v10  }
0xd8: {  	v57 =	vld [tilespmem:$0xA360];
	v17 =	vadd.f32 v17, v16;
	[tilespmem:$0xA1D0] =	vst v13  }
0xd9: {  	v58 =	vld [tilespmem:$0xA0E0];
	[tilespmem:$0xA1C0] =	vst v2;
	v2 =	vadd.f32 v15, v14  }
0xda: {  	v60 =	vld [tilespmem:$0xA370];
	v47 =	vadd.f32 v21, v20;
	[tilespmem:$0xA1F0] =	vst v17  }
0xdb: {  	v61 =	vld [tilespmem:$0xA0F0];
	[tilespmem:$0xA1E0] =	vst v2;
	v2 =	vadd.f32 v19, v18  }
0xdc: {  	v3 =	vld [tilespmem:$0xA060];
	v50 =	vadd.f32 v25, v24;
	[tilespmem:$0xA210] =	vst v47  }
0xdd: {  	v5 =	vld [tilespmem:$0xA2F0];
	[tilespmem:$0xA200] =	vst v2;
	v2 =	vadd.f32 v23, v22  }
0xde: {  	v8 =	vld [tilespmem:$0xA080];
	v53 =	vadd.f32 v29, v28;
	[tilespmem:$0xA230] =	vst v50  }
0xdf: {  	v9 =	vld [tilespmem:$0xA310];
	[tilespmem:$0xA220] =	vst v2;
	v2 =	vadd.f32 v27, v26  }
0xe0: {  	v12 =	vld [tilespmem:$0xA0A0];
	v56 =	vadd.f32 v33, v32;
	[tilespmem:$0xA250] =	vst v53  }
0xe1: {  	v28 =	vld [tilespmem:$0xA100];
	[tilespmem:$0xA240] =	vst v2;
	v2 =	vadd.f32 v31, v30  }
0xe2: {  	v59 =	vadd.f32 v37, v36;
	v32 =	vld [tilespmem:$0xA3A0];
	[tilespmem:$0xA270] =	vst v56  }
0xe3: {  	v33 =	vld [tilespmem:$0xA120];
	[tilespmem:$0xA260] =	vst v2;
	v2 =	vadd.f32 v35, v34  }
0xe4: {  	v62 =	vadd.f32 v41, v40;
	v36 =	vld [tilespmem:$0xA130];
	[tilespmem:$0xA290] =	vst v59  }
0xe5: {  	v41 =	vld [tilespmem:$0xA3D0];
	[tilespmem:$0xA280] =	vst v2;
	v2 =	vadd.f32 v39, v38  }
0xe6: {  	v29 =	vadd.f32 v45, v44;
	v7 =	vld [tilespmem:$0xA300];
	[tilespmem:$0xA2B0] =	vst v62  }
0xe7: {  	v6 =	vld [tilespmem:$0xA070];
	[tilespmem:$0xA2A0] =	vst v2;
	v2 =	vadd.f32 v43, v42  }
0xe8: {  	v37 =	vadd.f32 v49, v48;
	[tilespmem:$0xA2D0] =	vst v29;
	v11 =	vld [tilespmem:$0xA320]  }
0xe9: {  	v10 =	vld [tilespmem:$0xA090];
	[tilespmem:$0xA2C0] =	vst v2;
	v2 =	vadd.f32 v3, v46  }
0xea: {  	v40 =	vadd.f32 v55, v54;
	v44 =	vld [tilespmem:$0xA3E0];
	[tilespmem:$0xA330] =	vst v37  }
0xeb: {  	v63 =	vld [tilespmem:$0xA380];
	[tilespmem:$0xA2E0] =	vst v2;
	v2 =	vadd.f32 v8, v7  }
0xec: {  	[tilespmem:$0xA350] =	vst v40;
	v30 =	vld [tilespmem:$0xA390];
	v31 =	vadd.f32 v6, v5  }
0xed: {  	v3 =	vld [tilespmem:$0xA110];
	[tilespmem:$0xA300] =	vst v2;
	v2 =	vadd.f32 v12, v11  }
0xee: {  	v47 =	vld [tilespmem:$0xA170];
	[tilespmem:$0xA2F0] =	vst v31;
	v34 =	vadd.f32 v10, v9  }
0xef: {  	v35 =	vld [tilespmem:$0xA3B0];
	[tilespmem:$0xA320] =	vst v2;
	v2 =	vadd.f32 v52, v51  }
0xf0: {  	[tilespmem:$0xA310] =	vst v34;
	v38 =	vld [tilespmem:$0xA3C0];
	v43 =	vadd.f32 v61, v60  }
0xf1: {  	v42 =	vld [tilespmem:$0xA150];
	[tilespmem:$0xA340] =	vst v2;
	v2 =	vadd.f32 v58, v57  }
0xf2: {  	v39 =	vld [tilespmem:$0xA140];
	[tilespmem:$0xA370] =	vst v43;
	v3 =	vadd.f32 v3, v30  }
0xf3: {  	v46 =	vld [tilespmem:$0xA3F0];
	[tilespmem:$0xA360] =	vst v2;
	v2 =	vadd.f32 v28, v63  }
0xf4: {  	v45 =	vld [tilespmem:$0xA160];
	[tilespmem:$0xA390] =	vst v3;
	v3 =	vadd.f32 v36, v35  }
0xf5: {  	[tilespmem:$0xA380] =	vst v2;
	v2 =	vadd.f32 v33, v32  }
0xf6: {  	[tilespmem:$0xA3B0] =	vst v3;
	v3 =	vadd.f32 v42, v41  }
0xf7: {  	[tilespmem:$0xA3A0] =	vst v2;
	v2 =	vadd.f32 v39, v38  }
0xf8: {  	[tilespmem:$0xA3D0] =	vst v3;
	v3 =	vadd.f32 v47, v46  }
0xf9: {  	[tilespmem:$0xA3C0] =	vst v2;
	v2 =	vadd.f32 v45, v44  }
0xfa: {  	[tilespmem:$0xA3F0] =	vst v3  }
0xfb: {  	s25 =	sadd.s32 s25, s3;
	[tilespmem:$0xA3E0] =	vst v2  }
0xfc: {  	[tilespmem:s19], [sflag:$0x1] =	stream.strided.gather [spmem:s25], $0x280, s18, s17, $0x38;
	[tilespmem:$0xF680] =	vst v63  }
0xfd: {  	_ =	swait.ge [sflag:s13], $0x280  }
0xfe: {  	[sflag:s13] =	ssyncset.done $0x0  }
0xff: {  	[sflag:s13] =	ssyncadd.s32 $0xFFFFFD80  }
0x100: {  	v2 =	vld [tilespmem:$0xA400]  }
0x101: {  	v3 =	vld [tilespmem:$0x9F00]  }
0x102: {  	v4 =	vld [tilespmem:$0xA410]  }
0x103: {  	v5 =	vld [tilespmem:$0x9F10]  }
0x104: {  	v6 =	vld [tilespmem:$0xA420]  }
0x105: {  	v48 =	vld [tilespmem:$0x9F20]  }
0x106: {  	v49 =	vld [tilespmem:$0xA430]  }
0x107: {  	v50 =	vld [tilespmem:$0x9F30]  }
0x108: {  	v10 =	vld [tilespmem:$0xA440]  }
0x109: {  	v51 =	vld [tilespmem:$0x9F40]  }
0x10a: {  	v52 =	vld [tilespmem:$0xA450]  }
0x10b: {  	v53 =	vld [tilespmem:$0x9F50]  }
0x10c: {  	v14 =	vld [tilespmem:$0xA460]  }
0x10d: {  	v54 =	vld [tilespmem:$0x9F60]  }
0x10e: {  	v55 =	vld [tilespmem:$0xA470]  }
0x10f: {  	v56 =	vld [tilespmem:$0x9F70]  }
0x110: {  	v18 =	vld [tilespmem:$0xA480]  }
0x111: {  	v57 =	vld [tilespmem:$0x9F80]  }
0x112: {  	v58 =	vld [tilespmem:$0xA490]  }
0x113: {  	v59 =	vld [tilespmem:$0x9F90]  }
0x114: {  	v22 =	vld [tilespmem:$0xA4A0]  }
0x115: {  	v60 =	vld [tilespmem:$0x9FA0]  }
0x116: {  	v61 =	vld [tilespmem:$0xA4B0]  }
0x117: {  	v62 =	vld [tilespmem:$0x9FB0]  }
0x118: {  	v26 =	vld [tilespmem:$0xA4C0]  }
0x119: {  	v63 =	vld [tilespmem:$0x9FC0]  }
0x11a: {  	v28 =	vld [tilespmem:$0xA4D0]  }
0x11b: {  	v29 =	vld [tilespmem:$0x9FD0]  }
0x11c: {  	v30 =	vld [tilespmem:$0xA4E0]  }
0x11d: {  	v31 =	vld [tilespmem:$0x9FE0]  }
0x11e: {  	v32 =	vld [tilespmem:$0xA4F0]  }
0x11f: {  	v33 =	vld [tilespmem:$0x9FF0]  }
0x120: {  	v34 =	vld [tilespmem:$0xA500]  }
0x121: {  	v35 =	vld [tilespmem:$0xA000]  }
0x122: {  	v36 =	vld [tilespmem:$0xA510]  }
0x123: {  	v37 =	vld [tilespmem:$0xA010]  }
0x124: {  	v38 =	vld [tilespmem:$0xA520]  }
0x125: {  	v39 =	vld [tilespmem:$0xA020]  }
0x126: {  	v40 =	vld [tilespmem:$0xA530]  }
0x127: {  	v41 =	vld [tilespmem:$0xA030]  }
0x128: {  	v42 =	vld [tilespmem:$0xA540]  }
0x129: {  	v43 =	vld [tilespmem:$0xA040]  }
0x12a: {  	v44 =	vld [tilespmem:$0xA550]  }
0x12b: {  	v45 =	vld [tilespmem:$0xA050]  }
0x12c: {  	v46 =	vld [tilespmem:$0xA560]  }
0x12d: {  	v47 =	vld [tilespmem:$0xA570];
	v2 =	vadd.f32 v3, v2  }
0x12e: {  	v3 =	vld [tilespmem:$0xA060];
	v4 =	vadd.f32 v5, v4  }
0x12f: {  	v49 =	vadd.f32 v50, v49;
	v50 =	vld [tilespmem:$0xA580];
	[tilespmem:$0xA400] =	vst v2;
	v2 =	vadd.f32 v48, v6  }
0x130: {  	v52 =	vadd.f32 v53, v52;
	v53 =	vld [tilespmem:$0xA590];
	[tilespmem:$0xA410] =	vst v4  }
0x131: {  	v55 =	vadd.f32 v56, v55;
	v56 =	vld [tilespmem:$0xA5A0];
	[tilespmem:$0xA420] =	vst v2;
	v2 =	vadd.f32 v51, v10  }
0x132: {  	v58 =	vadd.f32 v59, v58;
	v59 =	vld [tilespmem:$0xA5B0];
	[tilespmem:$0xA430] =	vst v49  }
0x133: {  	v61 =	vadd.f32 v62, v61;
	v62 =	vld [tilespmem:$0xA5C0];
	[tilespmem:$0xA440] =	vst v2;
	v2 =	vadd.f32 v54, v14  }
0x134: {  	v28 =	vadd.f32 v29, v28;
	v29 =	vld [tilespmem:$0xA5D0];
	[tilespmem:$0xA450] =	vst v52  }
0x135: {  	v32 =	vadd.f32 v33, v32;
	v33 =	vld [tilespmem:$0xA5E0];
	[tilespmem:$0xA460] =	vst v2;
	v2 =	vadd.f32 v57, v18  }
0x136: {  	v36 =	vadd.f32 v37, v36;
	v37 =	vld [tilespmem:$0xA5F0];
	[tilespmem:$0xA470] =	vst v55  }
0x137: {  	v40 =	vadd.f32 v41, v40;
	v41 =	vld [tilespmem:$0xA600];
	[tilespmem:$0xA480] =	vst v2;
	v2 =	vadd.f32 v60, v22  }
0x138: {  	v44 =	vadd.f32 v45, v44;
	v45 =	vld [tilespmem:$0xA610];
	[tilespmem:$0xA490] =	vst v58  }
0x139: {  	v48 =	vld [tilespmem:$0xA070];
	[tilespmem:$0xA4A0] =	vst v2;
	v2 =	vadd.f32 v63, v26  }
0x13a: {  	[tilespmem:$0xA4B0] =	vst v61;
	v49 =	vld [tilespmem:$0xA120]  }
0x13b: {  	v52 =	vld [tilespmem:$0xA130];
	[tilespmem:$0xA4C0] =	vst v2;
	v2 =	vadd.f32 v31, v30  }
0x13c: {  	[tilespmem:$0xA4D0] =	vst v28;
	v55 =	vld [tilespmem:$0xA140]  }
0x13d: {  	v58 =	vld [tilespmem:$0xA150];
	[tilespmem:$0xA4E0] =	vst v2;
	v2 =	vadd.f32 v35, v34  }
0x13e: {  	[tilespmem:$0xA4F0] =	vst v32;
	v61 =	vld [tilespmem:$0xA160]  }
0x13f: {  	v51 =	vld [tilespmem:$0xA080];
	[tilespmem:$0xA500] =	vst v2;
	v2 =	vadd.f32 v39, v38  }
0x140: {  	[tilespmem:$0xA510] =	vst v36;
	v54 =	vld [tilespmem:$0xA090]  }
0x141: {  	v47 =	vadd.f32 v48, v47;
	v48 =	vld [tilespmem:$0xA620];
	[tilespmem:$0xA520] =	vst v2;
	v2 =	vadd.f32 v43, v42  }
0x142: {  	[tilespmem:$0xA530] =	vst v40;
	v60 =	vld [tilespmem:$0xA0B0]  }
0x143: {  	v57 =	vld [tilespmem:$0xA0A0];
	[tilespmem:$0xA540] =	vst v2;
	v2 =	vadd.f32 v3, v46  }
0x144: {  	[tilespmem:$0xA550] =	vst v44;
	v39 =	vld [tilespmem:$0xA0F0]  }
0x145: {  	v63 =	vld [tilespmem:$0xA0C0];
	[tilespmem:$0xA560] =	vst v2;
	v2 =	vadd.f32 v51, v50  }
0x146: {  	[tilespmem:$0xA570] =	vst v47;
	v31 =	vld [tilespmem:$0xA0D0];
	v50 =	vadd.f32 v54, v53  }
0x147: {  	v35 =	vld [tilespmem:$0xA0E0];
	v53 =	vadd.f32 v60, v59;
	[tilespmem:$0xA580] =	vst v2  }
0x148: {  	v3 =	vld [tilespmem:$0xA110];
	v2 =	vadd.f32 v57, v56;
	[tilespmem:$0xA590] =	vst v50  }
0x149: {  	v43 =	vld [tilespmem:$0xA100];
	v59 =	vadd.f32 v39, v37;
	[tilespmem:$0xA5B0] =	vst v53  }
0x14a: {  	v51 =	vld [tilespmem:$0xA630];
	[tilespmem:$0xA5A0] =	vst v2;
	v2 =	vadd.f32 v63, v62  }
0x14b: {  	v54 =	vld [tilespmem:$0xA640];
	v56 =	vadd.f32 v31, v29;
	[tilespmem:$0xA5F0] =	vst v59  }
0x14c: {  	v57 =	vld [tilespmem:$0xA650];
	[tilespmem:$0xA5C0] =	vst v2;
	v2 =	vadd.f32 v35, v33  }
0x14d: {  	v3 =	vadd.f32 v3, v45;
	[tilespmem:$0xA5D0] =	vst v56;
	v62 =	vld [tilespmem:$0xA670]  }
0x14e: {  	v63 =	vld [tilespmem:$0xA170];
	[tilespmem:$0xA5E0] =	vst v2;
	v2 =	vadd.f32 v43, v41  }
0x14f: {  	v60 =	vld [tilespmem:$0xA660];
	[tilespmem:$0xA610] =	vst v3;
	v3 =	vadd.f32 v52, v51  }
0x150: {  	[tilespmem:$0xA600] =	vst v2;
	v2 =	vadd.f32 v49, v48  }
0x151: {  	p0 =	sne.s32 s24, $0xF;
	[tilespmem:$0xA630] =	vst v3;
	v3 =	vadd.f32 v58, v57  }
.Ltmp2:
0x152: {  	[tilespmem:$0xA620] =	vst v2;
	v2 =	vadd.f32 v55, v54;
	(pc) =	sbr.rel @p0 .LBB2_6-.Ltmp2, $4  }
0x153: {  	[tilespmem:$0xA650] =	vst v3;
	v3 =	vadd.f32 v63, v62  }
0x154: {  	[tilespmem:$0xA640] =	vst v2;
	v2 =	vadd.f32 v61, v60  }
0x155: {  	[tilespmem:$0xA670] =	vst v3  }
0x156: {  	s23 =	sadd.s32 $0x80, s23;
	s24 =	sadd.s32 $0x1, s24;
	[tilespmem:$0xA660] =	vst v2  }
0x157: {  	[hbm4b:s10+s17] =	stream.strided.scatter [tilespmem:s21], [sflag:$0x1], $0x280, s20, s17, $0x38;
	[tilespmem:$0xF680] =	vst v63  }
0x158: {  	s4 =	sadd.s32 $0x1, s4;
	_ =	swait.ge [sflag:s13], $0x280  }
0x159: {  	p0 =	sne.s32 s4, s12;
	[sflag:s13] =	ssyncset.done $0x0  }
.Ltmp3:
0x15a: {  	[sflag:s13] =	ssyncadd.s32 $0xFFFFFD80;
	(pc) =	sbr.rel @p0 .LBB2_1-.Ltmp3, $4  }
0x15b: {  	[hbm4b:s11+s17] =	stream.strided.scatter [tilespmem:s22], [sflag:$0x1], $0x280, s20, s17, $0x38;
	[tilespmem:$0xF680] =	vst v63  }
0x15c: {  	_ =	swait.ge [sflag:s13], $0x280  }
0x15d: {  	[sflag:s13] =	ssyncset.done $0x0  }
0x15e: {  	[sflag:s13] =	ssyncadd.s32 $0xFFFFFD80  }
0x15f: {  	_ =	sfence.sel $0x180000  }
0x160: {  	[bflag:$0x0] =	sbarrier.arrive $0xFFFF  }
0x161: {  	p0 =	sne.s32 s0, $0x0;
	_ =	strace $0x90000047  }
0x162: {  	s0 =	sadd.s32 @!p0 $0x100000, s1;
	[bflag:$0x2] =	sbarrier.arrive $0xFFFF  }
0x163: {  	[sflag:s0] =	ssyncadd.tile.s32 @!p0 $0x1;
	_ =	shalt  }
.Lfunc_end2:
_tile_overlayer_lowered:
.L_overlay_start_2:
0x164: {  	(tag) =	ssettag $0x2  }
0x165: {  	s0 =	rddreg [dreg:$0x0];
	s2 =	stileid.u32  }
0x166: {  	s1 =	rddreg [dreg:$0x1];
	p0 =	sne.s32 s2, $0x0  }
0x167: {  	s3 =	rddreg [dreg:$0x2];
	[bflag:$0x3] =	sbarrier.arrive $0xFFFF;
	s2 =	simm.s32 @!p0 $0x1C01  }
0x168: {  	[timem:s3], [sflag:s2] =	dma.local @!p0 [hbm:s0], s1  }
0x169: {  	s0 =	simm.s32 @!p0 $0x1  }
0x16a: {  	_ =	swait.ge @!p0 [sflag:s0], s1  }
0x16b: {  	s1 =	ssub.s32 @!p0 $0x0, s1;
	[sflag:s0] =	ssyncset.done @!p0 $0x0  }
0x16c: {  	[sflag:s0] =	ssyncadd.s32 @!p0 s1  }
0x16d: {  	[bflag:$0x3] =	sbarrier.arrive $0xFFFF  }
0x16e: {  	_ =	shalt  }

// kernel: kernel.8.cloned.1.call-start
scs
__scs_entry_jumppad:
0x0: {  	(pc) =	sbr.rel $0x88, $3  }
0x1: {  	(tag) =	ssettag $0x0;
	lr =	simm.s32 $0x1  }
0x2: {  	[smem:$0x3F9B] =	sst lr;
	_ =	strace $0xD0000000  }
0x3: {  	_ = 	snop  }
0x4: {  	_ = 	snop  }
0x5: {  	_ = 	snop  }
0x6: {  	_ = 	snop  }
0x7: {  	_ = 	snop  }
__scs_overlays_trampoline_lowered:
0x8: {  	[smem:$0x3FAA] =	sst s0  }
0x9: {  	[smem:$0x3FAB] =	sst s1  }
0xa: {  	[smem:$0x3FAC] =	sst s2  }
0xb: {  	[smem:$0x3FAD] =	sst s3  }
0xc: {  	[smem:$0x3FAE] =	sst s4  }
0xd: {  	[smem:$0x3FAF] =	sst s5  }
0xe: {  	[smem:$0x3FB0] =	sst s6  }
0xf: {  	[smem:$0x3FB1] =	sst s7  }
0x10: {  	[smem:$0x3FB2] =	sst s8  }
0x11: {  	[smem:$0x3FB3] =	sst s9;
	s0 =	simm.s32 @!p0 $0x0  }
0x12: {  	s1 =	sld [smem:$0x3F99];
	s0 =	simm.s32 @p0 $0x1  }
0x13: {  	[smem:$0x3FB4] =	sst s0;
	s0 =	simm.s32 @!p1 $0x0  }
0x14: {  	s2 =	sld [smem:$0x3F98];
	s0 =	simm.s32 @p1 $0x1  }
0x15: {  	[smem:$0x3FB5] =	sst s0;
	s0 =	simm.s32 @!p2 $0x0  }
0x16: {  	s3 =	sld [smem:$0x3FDB];
	s0 =	simm.s32 @p2 $0x1  }
0x17: {  	s4 =	simm.s32 $0x1BF5;
	[smem:$0x3FB7] =	sst s0  }
0x18: {  	s0 =	sld [smem:$0x3F9A];
	_ =	swait.ge [sflag:s4], $0x0  }
0x19: {  	s7 =	sld [smem:$0x3F9B]  }
0x1a: {  	s8 =	sadd.s32 $0xFFFFE003, lr  }
0x1b: {  	s9 =	sadd.s32 $0xFFFFFEF7, lr;
	s5 =	simm.s32 $0xFFFFFFFF;
	p2 =	slt.u32 s8, $0xFFFFF086  }
0x1c: {  	p1 =	slt.u32 s9, $0xF7A;
	s5 =	simm.s32 @!p2 $0x0  }
0x1d: {  	s5 =	simm.s32 @p1 $0x1;
	p0 =	seq.s32 s7, s2  }
0x1e: {  	s7 =	smul.u32 @!p0 $0xF7A, s2;
	p2 =	seq.s32 @!p0 s5, $0x0  }
0x1f: {  	s9 =	smul.u32 $0xF7A, s1;
	s8 =	simm.s32 @!p0 $0x1BF5;
	p2 =	por !p2, p0  }
0x20: {  	[sflag:s8] =	ssyncset.s32 @!p0 $0xFFFFF086;
	s6 =	sadd.s32 @!p0 s3, s7;
	s7 =	simm.s32 @!p0 $0x108  }
0x21: {  	s3 =	sadd.s32 s3, s9;
	s6 =	sadd.s32 @!p0 $0x88, s6;
	s7 =	simm.s32 @p2 $0x1082  }
0x22: {  	[simem:s7], [sflag:s8] =	dma.local @!p0 [hbm:s6], $0xF7A  }
0x23: {  	s9 =	sor.u32 $0xD0000000, s2;
	s6 =	simm.s32 $0x108;
	_ =	swait.ge @!p0 [sflag:s8], $0x0  }
0x24: {  	s3 =	sadd.s32 $0x88, s3;
	s6 =	simm.s32 @!p1 $0x1082;
	[sflag:s4] =	ssyncset.s32 $0xFFFFF086  }
0x25: {  	[simem:s6], [sflag:s4] =	dma.local [hbm:s3], $0xF7A  }
0x26: {  	[smem:$0x3F9B] =	sst s1;
	(tag) =	ssettag s2;
	_ =	strace s9  }
0x27: {  	s1 =	sld [smem:$0x3FAB]  }
0x28: {  	s2 =	sld [smem:$0x3FAC]  }
0x29: {  	s4 =	sld [smem:$0x3FAE]  }
0x2a: {  	p0 =	seq.s32 s5, $0x0;
	s5 =	sld [smem:$0x3FAF]  }
0x2b: {  	s6 =	sld [smem:$0x3FB0]  }
0x2c: {  	s7 =	sld [smem:$0x3FB1]  }
0x2d: {  	s3 =	simm.s32 $0x108;
	s8 =	sld [smem:$0x3FB2]  }
0x2e: {  	s3 =	simm.s32 @!p0 $0x1082;
	s9 =	sld [smem:$0x3FB3]  }
0x2f: {  	lr =	sadd.s32 s0, s3;
	s0 =	sld [smem:$0x3FAA]  }
0x30: {  	s3 =	sld [smem:$0x3FAD]  }
0x31: {  	[smem:$0x3FB6] =	sst s10  }
0x32: {  	s10 =	sld [smem:$0x3FB4];
	_ =	sdelay $0x3  }
0x33: {  	p0 =	seq.s32 s10, $0x1;
	s10 =	sld [smem:$0x3FB6];
	_ =	sdelay $0x3  }
0x34: {  	[smem:$0x3FB6] =	sst s10  }
0x35: {  	s10 =	sld [smem:$0x3FB5];
	_ =	sdelay $0x3  }
0x36: {  	p1 =	seq.s32 s10, $0x1;
	s10 =	sld [smem:$0x3FB6];
	_ =	sdelay $0x3  }
0x37: {  	[smem:$0x3FB6] =	sst s10  }
0x38: {  	s10 =	sld [smem:$0x3FB7]  }
0x39: {  	_ = 	snop;
	(pc) =	sbr.ind lr, $3  }
0x3a: {  	_ = 	snop  }
0x3b: {  	_ = 	snop  }
0x3c: {  	p2 =	seq.s32 s10, $0x1;
	s10 =	sld [smem:$0x3FB6]  }
0x3d: {  	_ =	shalt  }
0x3e: {  	_ =	shalt  }
0x3f: {  	_ =	shalt  }
0x40: {  	_ =	shalt  }
0x41: {  	_ =	shalt  }
0x42: {  	_ =	shalt  }
0x43: {  	_ =	shalt  }
0x44: {  	_ =	shalt  }
0x45: {  	_ =	shalt  }
0x46: {  	_ =	shalt  }
0x47: {  	_ =	shalt  }
0x48: {  	_ =	shalt  }
0x49: {  	_ =	shalt  }
0x4a: {  	_ =	shalt  }
0x4b: {  	_ =	shalt  }
0x4c: {  	_ =	shalt  }
0x4d: {  	_ =	shalt  }
0x4e: {  	_ =	shalt  }
0x4f: {  	_ =	shalt  }
0x50: {  	_ =	shalt  }
0x51: {  	_ =	shalt  }
0x52: {  	_ =	shalt  }
0x53: {  	_ =	shalt  }
0x54: {  	_ =	shalt  }
0x55: {  	_ =	shalt  }
0x56: {  	_ =	shalt  }
0x57: {  	_ =	shalt  }
0x58: {  	_ =	shalt  }
0x59: {  	_ =	shalt  }
0x5a: {  	_ =	shalt  }
0x5b: {  	_ =	shalt  }
0x5c: {  	_ =	shalt  }
0x5d: {  	_ =	shalt  }
0x5e: {  	_ =	shalt  }
0x5f: {  	_ =	shalt  }
0x60: {  	_ =	shalt  }
0x61: {  	_ =	shalt  }
0x62: {  	_ =	shalt  }
0x63: {  	_ =	shalt  }
0x64: {  	_ =	shalt  }
0x65: {  	_ =	shalt  }
0x66: {  	_ =	shalt  }
0x67: {  	_ =	shalt  }
0x68: {  	_ =	shalt  }
0x69: {  	_ =	shalt  }
0x6a: {  	_ =	shalt  }
0x6b: {  	_ =	shalt  }
0x6c: {  	_ =	shalt  }
0x6d: {  	_ =	shalt  }
0x6e: {  	_ =	shalt  }
0x6f: {  	_ =	shalt  }
0x70: {  	_ =	shalt  }
0x71: {  	_ =	shalt  }
0x72: {  	_ =	shalt  }
0x73: {  	_ =	shalt  }
0x74: {  	_ =	shalt  }
0x75: {  	_ =	shalt  }
0x76: {  	_ =	shalt  }
0x77: {  	_ =	shalt  }
0x78: {  	_ =	shalt  }
0x79: {  	_ =	shalt  }
0x7a: {  	_ =	shalt  }
0x7b: {  	_ =	shalt  }
0x7c: {  	_ =	shalt  }
0x7d: {  	_ =	shalt  }
0x7e: {  	_ =	shalt  }
0x7f: {  	_ =	shalt  }
0x80: {  	_ =	shalt  }
0x81: {  	_ =	shalt  }
0x82: {  	_ =	shalt  }
0x83: {  	_ =	shalt  }
0x84: {  	_ =	shalt  }
0x85: {  	_ =	shalt  }
0x86: {  	_ =	shalt  }
0x87: {  	_ =	shalt  }
.Lfunc_end0:
.L_simem_size_0:
called_computation.1_lowered:
.L_overlay_start_0:
0x88: {  	s2 =	sld [smem:$0x3FD9]  }
0x89: {  	s3 =	sld [smem:$0x3FFE];
	_ =	sdelay $0x1  }
0x8a: {  	s1 =	srdreg.scid  }
0x8b: {  	s0 =	sand.u32 $0x1, s1  }
0x8c: {  	s14 =	sshll.u32 s0, $0xA;
	s2 =	sadd.s32 s3, s2  }
0x8d: {  	s2 =	sadd.s32 s2, s14  }
0x8e: {  	[smem:$0x3FC2] =	sst s2  }
0x8f: {  	_ = 	snop  }
0x90: {  	s2 =	sld [smem:$0x3FD0];
	_ =	sdelay $0x2  }
0x91: {  	s15 =	simm.s32 $0xA;
	s4 =	simm.s32 $0x10  }
0x92: {  	[smem:s4], [sflag:s15] =	dma.local [hbm:s2], $0x1  }
0x93: {  	_ =	swait.eq [sflag:s15], $0x1  }
0x94: {  	[sflag:s15] =	ssyncset.done $0x0  }
0x95: {  	[sflag:s15] =	ssyncadd.s32 $0xFFFFFFFF  }
0x96: {  	s16 =	sld [smem:$0x11];
	(tm) =	ssettm $0x1  }
0x97: {  	s17 =	sld [smem:$0x3FFB];
	_ =	sdelay $0x3  }
0x98: {  	_ =	strace s17  }
0x99: {  	s3 =	sld [smem:$0x3FFC];
	_ =	sdelay $0x3  }
0x9a: {  	_ =	strace s3  }
0x9b: {  	s3 =	sld [smem:$0x3FFD];
	_ =	sdelay $0x3  }
0x9c: {  	_ =	strace s3  }
0x9d: {  	_ =	strace $0x8FFFFFFF  }
0x9e: {  	s18 =	sld [smem:$0x3FDB];
	_ =	sdelay $0x1  }
0x9f: {  	s19 =	simm.s32 $_scs_section_size  }
0xa0: {  	s5 =	simm.s32 $_size__tile_overlayer_lowered;
	s6 =	simm.s32 $_tile_overlayer_lowered  }
0xa1: {  	s22 =	simm.s32 $0x1BFF;
	s21 =	sshll.u32 s6, $0x1;
	s3 =	sadd.s32 s19, s18  }
0xa2: {  	s7 =	simm.s32 $0x0;
	s20 =	sshll.u32 s5, $0x1;
	s5 =	sadd.s32 s21, s3  }
0xa3: {  	[timem:s7], [sflag:s22] =	dma.local [hbm:s5], s20  }
0xa4: {  	_ =	swait.ge [sflag:s22], s20  }
0xa5: {  	s4 =	ssub.s32 $0x0, s20;
	[sflag:s22] =	ssyncset.done $0x0  }
0xa6: {  	[sflag:s22] =	ssyncadd.s32 s4;
	_ =	sdelay $0x1  }
0xa7: {  	s23 =	simm.s32 $0x1B8B  }
0xa8: {  	_ =	swait.ge [sflag:s23], $0x1  }
0xa9: {  	[sflag:s23] =	ssyncset.done $0x0  }
0xaa: {  	s25 =	simm.s32 $0x1B8E;
	s24 =	sld [smem:$0x3FFE];
	[sflag:s23] =	ssyncadd.s32 $0xFFFFFFFF  }
0xab: {  	s26 =	simm.s32 $execute0_lowered;
	[smem:$0x3FD2] =	sst s25  }
0xac: {  	s5 =	sshll.u32 s26, $0x1;
	_ =	strace $0x80000049;
	[dreg:$0x1] =	wrdreg $0xFFFFFFFF  }
0xad: {  	s28 =	simm.s32 $_size_execute0_lowered;
	s3 =	sadd.s32 s3, s5;
	[dreg:$0x0] =	wrdreg $0x0  }
0xae: {  	s5 =	sshll.u32 s28, $0x1;
	[dreg:$0x2] =	wrdreg s3  }
0xaf: {  	[dreg:$0x3] =	wrdreg s5  }
0xb0: {  	[dreg:$0x4] =	wrdreg $0xC0  }
0xb1: {  	_ =	task [dreg:s7], $0x5FFFF  }
0xb2: {  	[dreg:$0x1] =	wrdreg $0xFFFFFFFF  }
0xb3: {  	[dreg:$0x0] =	wrdreg $0x60  }
0xb4: {  	[dreg:$0x2] =	wrdreg s24  }
0xb5: {  	[dreg:$0x3] =	wrdreg s16  }
0xb6: {  	[dreg:$0x4] =	wrdreg $0x7F000  }
0xb7: {  	[dreg:$0x5] =	wrdreg $0x9  }
0xb8: {  	_ =	task.clear_ibuf [dreg:s7], $0x6FFFF;
	_ =	strace $0x90000049  }
0xb9: {  	s29 =	simm.s32 $0x9;
	_ =	strace $0x8000004B  }
0xba: {  	_ =	swait.ge [sflag:s29], $0x1  }
0xbb: {  	[sflag:s29] =	ssyncadd.s32 $0xFFFFFFFF  }
0xbc: {  	_ =	strace $0x9000004B  }
0xbd: {  	_ =	sfence  }
0xbe: {  	s30 =	sld [smem:$0x0];
	_ =	sdelay $0x2  }
0xbf: {  	s31 =	sshll.u32 s1, $0xD;
	s1 =	sshrl.u32 s1, $0x2  }
0xc0: {  	s3 =	sand.u32 $0x4000, s31;
	s1 =	sadd.s32 s1, s30  }
0xc1: {  	s0 =	sor.u32 s3, s0;
	s1 =	sshll.u32 s1, $0x11  }
0xc2: {  	s0 =	sor.u32 s1, s0  }
0xc3: {  	s0 =	sadd.s32 $0x8F2B, s0  }
0xc4: {  	[sflag:s0] =	ssyncadd.remote.s32 $0x1  }
0xc5: {  	_ =	sfence.sel $0xFFFF  }
0xc6: {  	[dreg:$0x0] =	wrdreg $0xFFFFFFFF;
	(pc) =	sbr.abs _section_cstart, $3  }
0xc7: {  	[dreg:$0x1] =	wrdreg $0xFFFFFFFF  }
0xc8: {  	_ =	task.clear_ibuf [dreg:s7], $0x2FFFF;
	_ =	strace $0x9FFFFFFF  }
0xc9: {  	(tm) =	ssettm $0x7FFFFFFF  }
tec
execute0_lowered:
.L_overlay_start_1:
0x0: {  	(tag) =	ssettag $0x1  }
0x1: {  	s5 =	rddreg [dreg:$0x0]  }
0x2: {  	s11 =	rddreg [dreg:$0x1]  }
0x3: {  	s1 =	rddreg [dreg:$0x2]  }
0x4: {  	s2 =	srdreg.scid;
	s0 =	rddreg [dreg:$0x3];
	s3 =	simm.s32 $0x0  }
0x5: {  	s15 =	simm.s32 $0x80;
	s16 =	simm.s32 $0x100;
	s17 =	simm.s32 $0x7700  }
0x6: {  	s18 =	simm.s32 $0x7980;
	s19 =	simm.s32 $0x7C00;
	s20 =	simm.s32 $0x2780  }
0x7: {  	s21 =	simm.s32 $0x4F80;
	s22 =	simm.s32 $0x0;
	s6 =	sand.u32 $0x1, s2  }
0x8: {  	[smem:$0x7FF] =	sst s3;
	s2 =	stileid.u32;
	s7 =	sadd.s32 $0xAC00, s5  }
0x9: {  	s9 =	sadd.s32 $0xB600, s5;
	s4 =	sshll.u32 s6, $0x4;
	s8 =	smul.u32 $0xA0, s2  }
0xa: {  	s6 =	ssub.s32 $0x2, s6;
	s13 =	smul.u32 $0xA00, s2;
	s4 =	sor.u32 s2, s4  }
0xb: {  	_ =	strace $0x8000004A;
	s10 =	sshrl.u32 s6, $0x1;
	s12 =	smul.u32 $0x4E2, s4  }
0xc: {  	s4 =	sadd.s32 $0xC000, s5;
	s14 =	ssub.s32 s6, s10;
	s31 =	sor.u32 $0x10, s8  }
0xd: {  	s6 =	sadd.s32 s7, s8;
	s13 =	sshrl.u32 s13, $0x2;
	s8 =	sadd.s32 s9, s8  }
0xe: {  	s7 =	sadd.s32 s7, s31;
	s9 =	sadd.s32 s9, s31;
	s10 =	sadd.s32 s13, s1  }
0xf: {  	s13 =	simm.s32 $0x1;
	s5 =	sadd.s32 s12, s5;
	s11 =	sadd.s32 s11, s12  }
0x10: {  	s12 =	smax.u32 s14, $0x1;
	s14 =	simm.s32 $0x7E80;
	s5 =	sadd.s32 $0xE00, s5  }
.LBB2_1:
0x11: {  	[tilespmem:s3], [sflag:$0x1] =	stream.linear.gather [hbm4b:s5+s3], $0x2710, $0x38;
	[tilespmem:$0x8180] =	vst v63  }
0x12: {  	_ =	swait.ge [sflag:s13], $0x2710  }
0x13: {  	[sflag:s13] =	ssyncset.done $0x0  }
0x14: {  	[sflag:s13] =	ssyncadd.s32 $0xFFFFD8F0  }
0x15: {  	[tilespmem:s14], [sflag:$0x1] =	stream.linear.gather [hbm4b:s4+s3], $0x80, $0x38;
	[tilespmem:$0x8180] =	vst v63  }
0x16: {  	_ =	swait.ge [sflag:s13], $0x80  }
0x17: {  	[sflag:s13] =	ssyncset.done $0x0  }
0x18: {  	[sflag:s13] =	ssyncadd.s32 $0xFFFFFF80  }
0x19: {  	[tilespmem:s17], [sflag:$0x1] =	stream.strided.gather [hbm4b:s6+s15], $0x280, s16, s15, $0x38;
	[tilespmem:$0x8180] =	vst v63  }
0x1a: {  	_ =	swait.ge [sflag:s13], $0x280  }
0x1b: {  	[sflag:s13] =	ssyncset.done $0x0  }
0x1c: {  	[sflag:s13] =	ssyncadd.s32 $0xFFFFFD80  }
0x1d: {  	[tilespmem:s18], [sflag:$0x1] =	stream.strided.gather [hbm4b:s7+s15], $0x280, s16, s15, $0x38;
	[tilespmem:$0x8180] =	vst v63  }
0x1e: {  	_ =	swait.ge [sflag:s13], $0x280  }
0x1f: {  	[sflag:s13] =	ssyncset.done $0x0  }
0x20: {  	[sflag:s13] =	ssyncadd.s32 $0xFFFFFD80  }
0x21: {  	s23 =	simm.s32 $0x0;
	v0 =	vld [tilespmem:$0x7E80]  }
0x22: {  	s24 =	simm.s32 $0x40;
	v1 =	vld [tilespmem:s23+$0x7980]  }
.LBB2_2:
0x23: {  	p0 =	sne.s32 s24, $0x9C0;
	v2 =	vld [tilespmem:s23+$0x7700];
	_ =	sdelay $0x2  }
.Ltmp0:
0x24: {  	(pc) =	sbr.rel @p0 .LBB2_2-.Ltmp0, $4  }
0x25: {  	_ = 	snop  }
0x26: {  	v2 =	vadd.f32 v1, v2  }
0x27: {  	s25 =	sshra.s32 s24, $0x2  }
0x28: {  	s24 =	sadd.s32 $0x40, s24;
	v1 =	vld [tilespmem:s25+$0x7980];
	[tilespmem:s23+$0x7700] =	vst v2;
	s23 =	smov.u32 s25  }
0x29: {  	v2 =	vld [tilespmem:s23+$0x7700];
	_ =	sdelay $0x4  }
0x2a: {  	v1 =	vadd.f32 v1, v2;
	_ =	sdelay $0x1  }
0x2b: {  	[tilespmem:s23+$0x7700] =	vst v1  }
0x2c: {  	[tilespmem:s18], [sflag:$0x1] =	stream.strided.gather [hbm4b:s8+s15], $0x280, s16, s15, $0x38;
	[tilespmem:$0x8180] =	vst v63  }
0x2d: {  	_ =	swait.ge [sflag:s13], $0x280  }
0x2e: {  	[sflag:s13] =	ssyncset.done $0x0  }
0x2f: {  	[sflag:s13] =	ssyncadd.s32 $0xFFFFFD80  }
0x30: {  	[tilespmem:s19], [sflag:$0x1] =	stream.strided.gather [hbm4b:s9+s15], $0x280, s16, s15, $0x38;
	[tilespmem:$0x8180] =	vst v63  }
0x31: {  	_ =	swait.ge [sflag:s13], $0x280  }
0x32: {  	[sflag:s13] =	ssyncset.done $0x0  }
0x33: {  	s23 =	simm.s32 $0x0;
	[sflag:s13] =	ssyncadd.s32 $0xFFFFFD80  }
0x34: {  	s24 =	simm.s32 $0x40;
	v1 =	vld [tilespmem:s23+$0x7980]  }
.LBB2_4:
0x35: {  	p0 =	sne.s32 s24, $0x9C0;
	v2 =	vld [tilespmem:s23+$0x7C00];
	_ =	sdelay $0x4  }
0x36: {  	v1 =	vadd.f32 v2, v1;
	_ =	sdelay $0x1  }
0x37: {  	v1 =	vmax.f32 v1, $1.000000000e+00  }
0x38: {  	(erf) = vrcp.f32 v1;
	_ =	sdelay $0x4  }
0x39: {  	v1 =	vld [tilespmem:s23+$0x7700];
	_ =	sdelay $0x3  }
0x3a: {  	v2 =	vpop (erf)  }
0x3b: {  	v1 =	vmul.f32 v2, v1;
	_ =	sdelay $0x1  }
0x3c: {  	v1 =	vadd.f32 v1, v0;
	_ =	sdelay $0x1  }
0x3d: {  	v2 =	vand.u32 $0x7FFFFFFF, v1  }
0x3e: {  	v2 =	vsub.f32 $0.0e+00, v2;
	_ =	sdelay $0x1  }
0x3f: {  	v2 =	vmul.f32 $1.442695020e+00, v2;
	_ =	sdelay $0x1  }
0x40: {  	(erf) = vpow2.f32 v2;
	_ =	sdelay $0x8  }
0x41: {  	v2 =	vpop (erf)  }
0x42: {  	v3 =	vadd.f32 $2.000000000e+00, v2;
	_ =	sdelay $0x1  }
0x43: {  	(erf) = vrcp.f32 v3;
	_ =	sdelay $0x8  }
0x44: {  	v3 =	vpop (erf)  }
0x45: {  	v2 =	vmul.f32 v3, v2;
	_ =	sdelay $0x1  }
0x46: {  	v3 =	vmul.f32 v2, v2;
	_ =	sdelay $0x1  }
0x47: {  	v4 =	vmul.f32 $1.428571490e-01, v3;
	_ =	sdelay $0x1  }
0x48: {  	v4 =	vadd.f32 $2.000000030e-01, v4;
	_ =	sdelay $0x1  }
0x49: {  	v4 =	vmul.f32 v4, v3;
	_ =	sdelay $0x1  }
0x4a: {  	v4 =	vadd.f32 $3.333333430e-01, v4;
	_ =	sdelay $0x1  }
0x4b: {  	v3 =	vmul.f32 v4, v3;
	_ =	sdelay $0x1  }
0x4c: {  	v2 =	vadd.f32 v2, v2;
	v3 =	vadd.f32 $1.000000000e+00, v3;
	_ =	sdelay $0x1  }
.Ltmp1:
0x4d: {  	v2 =	vmul.f32 v3, v2;
	(pc) =	sbr.rel @p0 .LBB2_4-.Ltmp1, $4  }
0x4e: {  	v1 =	vmax.f32 v1, $0.0e+00  }
0x4f: {  	v2 =	vadd.f32 v2, v1  }
0x50: {  	s25 =	sshra.s32 s24, $0x2  }
0x51: {  	s24 =	sadd.s32 $0x40, s24;
	v1 =	vld [tilespmem:s25+$0x7980];
	[tilespmem:s23+$0x7C00] =	vst v2;
	s23 =	smov.u32 s25  }
0x52: {  	v2 =	vld [tilespmem:s23+$0x7C00];
	_ =	sdelay $0x4  }
0x53: {  	v1 =	vadd.f32 v2, v1;
	_ =	sdelay $0x1  }
0x54: {  	v1 =	vmax.f32 v1, $1.000000000e+00  }
0x55: {  	(erf) = vrcp.f32 v1;
	_ =	sdelay $0x4  }
0x56: {  	v1 =	vld [tilespmem:s23+$0x7700];
	_ =	sdelay $0x3  }
0x57: {  	v2 =	vpop (erf)  }
0x58: {  	v1 =	vmul.f32 v2, v1;
	_ =	sdelay $0x1  }
0x59: {  	v0 =	vadd.f32 v1, v0;
	_ =	sdelay $0x1  }
0x5a: {  	v1 =	vand.u32 $0x7FFFFFFF, v0  }
0x5b: {  	v1 =	vsub.f32 $0.0e+00, v1;
	_ =	sdelay $0x1  }
0x5c: {  	v1 =	vmul.f32 $1.442695020e+00, v1;
	_ =	sdelay $0x1  }
0x5d: {  	(erf) = vpow2.f32 v1;
	_ =	sdelay $0x8  }
0x5e: {  	v1 =	vpop (erf)  }
0x5f: {  	v2 =	vadd.f32 $2.000000000e+00, v1;
	_ =	sdelay $0x1  }
0x60: {  	(erf) = vrcp.f32 v2;
	_ =	sdelay $0x8  }
0x61: {  	v2 =	vpop (erf)  }
0x62: {  	v1 =	vmul.f32 v2, v1;
	_ =	sdelay $0x1  }
0x63: {  	v2 =	vmul.f32 v1, v1;
	_ =	sdelay $0x1  }
0x64: {  	v3 =	vmul.f32 $1.428571490e-01, v2;
	_ =	sdelay $0x1  }
0x65: {  	v3 =	vadd.f32 $2.000000030e-01, v3;
	_ =	sdelay $0x1  }
0x66: {  	v3 =	vmul.f32 v3, v2;
	_ =	sdelay $0x1  }
0x67: {  	v3 =	vadd.f32 $3.333333430e-01, v3;
	_ =	sdelay $0x1  }
0x68: {  	v2 =	vmul.f32 v3, v2;
	_ =	sdelay $0x1  }
0x69: {  	v1 =	vadd.f32 v1, v1;
	v2 =	vadd.f32 $1.000000000e+00, v2;
	_ =	sdelay $0x1  }
0x6a: {  	v1 =	vmul.f32 v2, v1  }
0x6b: {  	v0 =	vmax.f32 v0, $0.0e+00  }
0x6c: {  	v0 =	vadd.f32 v1, v0;
	_ =	sdelay $0x1  }
0x6d: {  	[tilespmem:s23+$0x7C00] =	vst v0  }
0x6e: {  	[spmem:s10] =	stream.linear.scatter [tilespmem:s19], [sflag:$0x1], $0x280, $0x38;
	[tilespmem:$0x8180] =	vst v63  }
0x6f: {  	_ =	swait.ge [sflag:s13], $0x280  }
0x70: {  	[sflag:s13] =	ssyncset.done $0x0  }
0x71: {  	[sflag:s13] =	ssyncadd.s32 $0xFFFFFD80  }
0x72: {  	[bflag:$0x0] =	sbarrier.arrive $0xFFFF  }
0x73: {  	[tilespmem:s20], [sflag:$0x1] =	stream.linear.gather [spmem:s1], $0x2800, $0x38;
	[tilespmem:$0x8180] =	vst v63  }
0x74: {  	_ =	swait.ge [sflag:s13], $0x2800  }
0x75: {  	[sflag:s13] =	ssyncset.done $0x0  }
0x76: {  	s23 =	simm.s32 $0x0;
	[sflag:s13] =	ssyncadd.s32 $0xFFFFD800  }
0x77: {  	v0 =	vld [tilespmem:s23+$0x0];
	_ =	sdelay $0x6  }
0x78: {  	v1 =	vld [tilespmem:s23+$0x10]  }
0x79: {  	v0 =	vld.idx.msk [tilespmem:v0+s20+$0x0], $0xffff;
	_ =	sdelay $0x4  }
0x7a: {  	[tilespmem:s23+$0x4F80] =	vst v0;
	v0 =	vld [tilespmem:s23+$0x20];
	_ =	sdelay $0x1  }
0x7b: {  	v1 =	vld.idx.msk [tilespmem:v1+s20+$0x0], $0xffff;
	_ =	sdelay $0x4  }
0x7c: {  	[tilespmem:s23+$0x4F90] =	vst v1;
	v1 =	vld [tilespmem:s23+$0x30]  }
0x7d: {  	v0 =	vld.idx.msk [tilespmem:v0+s20+$0x0], $0xffff;
	_ =	sdelay $0x4  }
0x7e: {  	[tilespmem:s23+$0x4FA0] =	vst v0;
	v0 =	vld [tilespmem:s23+$0x40];
	_ =	sdelay $0x1  }
0x7f: {  	v1 =	vld.idx.msk [tilespmem:v1+s20+$0x0], $0xffff;
	_ =	sdelay $0x3  }
0x80: {  	s25 =	simm.s32 $0x50;
	s24 =	simm.s32 $0x280  }
.LBB2_6:
0x81: {  	p0 =	sne.s32 s24, $0x9B00;
	v2 =	vld [tilespmem:s25+$0x0];
	[tilespmem:s23+$0x4FB0] =	vst v1  }
0x82: {  	v0 =	vld.idx.msk [tilespmem:v0+s20+$0x0], $0xffff;
	_ =	sdelay $0x5  }
0x83: {  	v1 =	vld [tilespmem:s25+$0x10];
	[tilespmem:s23+$0x4FC0] =	vst v0;
	s23 =	smov.u32 s25  }
0x84: {  	v0 =	vld.idx.msk [tilespmem:v2+s20+$0x0], $0xffff;
	_ =	sdelay $0x5  }
0x85: {  	[tilespmem:s23+$0x4F80] =	vst v0;
	v0 =	vld [tilespmem:s23+$0x20]  }
0x86: {  	v1 =	vld.idx.msk [tilespmem:v1+s20+$0x0], $0xffff;
	_ =	sdelay $0x5  }
0x87: {  	[tilespmem:s23+$0x4F90] =	vst v1;
	v1 =	vld [tilespmem:s23+$0x30]  }
0x88: {  	v0 =	vld.idx.msk [tilespmem:v0+s20+$0x0], $0xffff;
	_ =	sdelay $0x5  }
0x89: {  	[tilespmem:s23+$0x4FA0] =	vst v0;
	v0 =	vld [tilespmem:s23+$0x40]  }
0x8a: {  	v1 =	vld.idx.msk [tilespmem:v1+s20+$0x0], $0xffff  }
.Ltmp2:
0x8b: {  	(pc) =	sbr.rel @p0 .LBB2_6-.Ltmp2, $2  }
0x8c: {  	_ =	sdelay $0x2  }
0x8d: {  	s25 =	sshra.s32 s24, $0x2;
	s24 =	sadd.s32 $0x140, s24  }
0x8e: {  	_ =	sdelay $0x1  }
0x8f: {  	v2 =	vld [tilespmem:s25+$0x0]  }
0x90: {  	[tilespmem:s23+$0x4FB0] =	vst v1  }
0x91: {  	v0 =	vld.idx.msk [tilespmem:v0+s20+$0x0], $0xffff;
	_ =	sdelay $0x3  }
0x92: {  	v1 =	vld [tilespmem:s25+$0x10]  }
0x93: {  	[tilespmem:s23+$0x4FC0] =	vst v0  }
0x94: {  	v0 =	vld.idx.msk [tilespmem:v2+s20+$0x0], $0xffff;
	_ =	sdelay $0x3  }
0x95: {  	v61 =	vld [tilespmem:s25+$0x20]  }
0x96: {  	[tilespmem:s25+$0x4F80] =	vst v0  }
0x97: {  	v1 =	vld.idx.msk [tilespmem:v1+s20+$0x0], $0xffff;
	_ =	sdelay $0x3  }
0x98: {  	v62 =	vld [tilespmem:s25+$0x30]  }
0x99: {  	[tilespmem:s25+$0x4F90] =	vst v1  }
0x9a: {  	v0 =	vld.idx.msk [tilespmem:v61+s20+$0x0], $0xffff;
	_ =	sdelay $0x3  }
0x9b: {  	v63 =	vld [tilespmem:s25+$0x40]  }
0x9c: {  	[tilespmem:s25+$0x4FA0] =	vst v0  }
0x9d: {  	v1 =	vld.idx.msk [tilespmem:v62+s20+$0x0], $0xffff;
	_ =	sdelay $0x4  }
0x9e: {  	[tilespmem:s25+$0x4FB0] =	vst v1  }
0x9f: {  	v0 =	vld.idx.msk [tilespmem:v63+s20+$0x0], $0xffff;
	_ =	sdelay $0x2  }
0xa0: {  	s22 =	sadd.s32 $0x1, s22  }
0xa1: {  	p0 =	sne.s32 s22, s12  }
.Ltmp3:
0xa2: {  	[tilespmem:s25+$0x4FC0] =	vst v0;
	(pc) =	sbr.rel @p0 .LBB2_1-.Ltmp3, $4  }
0xa3: {  	[hbm4b:s11+s3] =	stream.linear.scatter [tilespmem:s21], [sflag:$0x1], $0x2710, $0x38;
	[tilespmem:$0x8180] =	vst v63  }
0xa4: {  	_ =	swait.ge [sflag:s13], $0x2710  }
0xa5: {  	[sflag:s13] =	ssyncset.done $0x0  }
0xa6: {  	[sflag:s13] =	ssyncadd.s32 $0xFFFFD8F0  }
0xa7: {  	_ =	sfence.sel $0x180000  }
0xa8: {  	[bflag:$0x0] =	sbarrier.arrive $0xFFFF  }
0xa9: {  	p0 =	sne.s32 s2, $0x0;
	_ =	strace $0x9000004A  }
0xaa: {  	s0 =	sadd.s32 @!p0 $0x100000, s0;
	[bflag:$0x2] =	sbarrier.arrive $0xFFFF  }
0xab: {  	[sflag:s0] =	ssyncadd.tile.s32 @!p0 $0x1;
	_ =	shalt  }
.Lfunc_end2:
_tile_overlayer_lowered:
.L_overlay_start_2:
0xac: {  	(tag) =	ssettag $0x2  }
0xad: {  	s0 =	rddreg [dreg:$0x0];
	s2 =	stileid.u32  }
0xae: {  	s1 =	rddreg [dreg:$0x1];
	p0 =	sne.s32 s2, $0x0  }
0xaf: {  	s3 =	rddreg [dreg:$0x2];
	[bflag:$0x3] =	sbarrier.arrive $0xFFFF;
	s2 =	simm.s32 @!p0 $0x1C01  }
0xb0: {  	[timem:s3], [sflag:s2] =	dma.local @!p0 [hbm:s0], s1  }
0xb1: {  	s0 =	simm.s32 @!p0 $0x1  }
0xb2: {  	_ =	swait.ge @!p0 [sflag:s0], s1  }
0xb3: {  	s1 =	ssub.s32 @!p0 $0x0, s1;
	[sflag:s0] =	ssyncset.done @!p0 $0x0  }
0xb4: {  	[sflag:s0] =	ssyncadd.s32 @!p0 s1  }
0xb5: {  	[bflag:$0x3] =	sbarrier.arrive $0xFFFF  }
0xb6: {  	_ =	shalt  }

</sc_bundles>
